<compile_context>
chip_gen: v7x
topology: tpu7x:2x2x1
jax: 0.10.2.dev20260603
libtpu: 0.0.44.dev20260713+nightly
codegen_flags: <defaults>
</compile_context>

<pallas_src>
import functools

import jax
import jax.numpy as jnp
from jax import lax
from jax.experimental import pallas as pl
from jax.experimental.pallas import tpu as pltpu
from jax.experimental.pallas import tpu_sc as plsc

_NBUF = 8
_CHUNK = 8


def _build_embed(B, S, V, D, n_per_w):
    mesh = plsc.VectorSubcoreMesh(core_axis_name="c", subcore_axis_name="s")
    info = plsc.get_sparse_core_info()
    nc = info.num_cores
    n_chunks = n_per_w // _CHUNK
    n_outer = n_chunks // _NBUF
    w_per_row = S // n_per_w

    @functools.partial(
        pl.kernel,
        mesh=mesh,
        out_type=jax.ShapeDtypeStruct((B, S, D), jnp.float32),
        scratch_types=[
            pltpu.VMEM((n_per_w,), jnp.int32),
            pltpu.VMEM((_NBUF, _CHUNK, D), jnp.float32),
            pltpu.SemaphoreType.DMA((_NBUF,)),
            pltpu.SemaphoreType.DMA((_NBUF,)),
        ],
    )
    def embed(idx_hbm, table_hbm, out_hbm, idx_v, rows_v, gsem, ssem):
        wid = lax.axis_index("s") * nc + lax.axis_index("c")
        row = wid // w_per_row
        col = (wid % w_per_row) * n_per_w
        pltpu.sync_copy(idx_hbm.at[row, pl.ds(col, n_per_w)], idx_v)

        def gather(c, b):
            return pltpu.make_async_copy(
                table_hbm.at[idx_v.at[pl.ds(c * _CHUNK, _CHUNK)]],
                rows_v.at[b],
                gsem.at[b],
            )

        def scatter(c, b):
            return pltpu.make_async_copy(
                rows_v.at[b],
                out_hbm.at[row, pl.ds(col + c * _CHUNK, _CHUNK)],
                ssem.at[b],
            )

        for b in range(_NBUF):
            gather(b, b).start()

        def outer(o, carry):
            c0 = o * _NBUF
            for b in range(_NBUF):
                gather(c0 + b, b).wait()
                scatter(c0 + b, b).start()
            for b in range(_NBUF):
                scatter(c0 + b, b).wait()
                gather(c0 + _NBUF + b, b).start()
            return carry

        lax.fori_loop(0, n_outer - 1, outer, 0)

        c0 = (n_outer - 1) * _NBUF
        for b in range(_NBUF):
            gather(c0 + b, b).wait()
            scatter(c0 + b, b).start()
        for b in range(_NBUF):
            scatter(c0 + b, b).wait()

    return embed


def kernel(tokens, W_E):
    B, S = tokens.shape
    V, D = W_E.shape
    N = B * S
    info = plsc.get_sparse_core_info()
    nw = info.num_cores * info.num_subcores
    n_per_w = N // nw
    return _build_embed(B, S, V, D, n_per_w)(tokens.astype(jnp.int32), W_E)

# --- scband reference (transcript-rebuilt; emitter-appended) ---
"""Pipeline reference for scband-embed-52218212385158 (READ-ONLY COPY).

The authoritative reference and input builder live on the scoring server;
editing this copy changes nothing except your own understanding.
"""

import jax, jax.numpy as jnp
import numpy as np

D_VOCAB = 100000
D_MODEL = 1024
INIT_RANGE = 0.02
BATCH = 4
SEQ = 4096

def setup_inputs(seed: int = 0) -> dict:
    key = jax.random.key(seed)
    k_tok, k_w = jax.random.split(key)
    tokens = jax.random.randint(k_tok, (BATCH, SEQ), 0, D_VOCAB, dtype=jnp.int64 if jax.config.jax_enable_x64 else jnp.int32)
    W_E = jax.random.normal(k_w, (D_VOCAB, D_MODEL), dtype=jnp.float32) * INIT_RANGE
    return {"tokens": tokens, "W_E": W_E}

def reference(tokens, W_E):
    # Faithful translation of: return self.W_E[tokens]
    return jnp.take(W_E, tokens, axis=0)

if __name__ == "__main__":
    import jax
    _d = setup_inputs()
    print(jax.jit(kernel)(*tuple(_d.values())))

</pallas_src>

<mosaic_0001>
#map = affine_map<(d0, d1) -> (0, 0)>
#map1 = affine_map<(d0, d1) -> (0, 0, 0)>
module attributes {stable_mosaic.version = 14 : i64} {
  func.func @embed(%arg0: i32, %arg1: i32, %arg2: memref<4x4096xi32, #tpu.memory_space<hbm>>, %arg3: memref<100000x1024xf32, #tpu.memory_space<hbm>>, %arg4: memref<4x4096x1024xf32, #tpu.memory_space<hbm>>, %arg5: memref<512xi32, #tpu.memory_space<vmem>>, %arg6: memref<8x8x1024xf32, #tpu.memory_space<vmem>>, %arg7: memref<8x!tpu.dma_semaphore, #tpu.memory_space<semaphore_mem>>, %arg8: memref<8x!tpu.dma_semaphore, #tpu.memory_space<semaphore_mem>>) attributes {dimension_semantics = [#tpu.dimension_semantics<core_parallel>, #tpu.dimension_semantics<subcore_parallel>], iteration_bounds = array<i64: 2, 16>, scalar_prefetch = 0 : i64, scratch_operands = 4 : i64, tpu.core_type = #tpu.core_type<sc_vector_subcore>, window_params = [{transform_indices = #map}, {transform_indices = #map}, {transform_indices = #map1}]} {
    %mul3A = arith.constant 2 : i32
    %mul3A_0 = arith.muli %arg1, %mul3A : i32
    %add3A = arith.addi %mul3A_0, %arg0 : i32
    %jit3A = arith.constant 8 : i32
    %div3A = arith.divsi %add3A, %jit3A : i32
    %sign3A = arith.constant 0 : i32
    %sign3A_1 = arith.cmpi sgt, %add3A, %sign3A : i32
    %sign3A_2 = arith.extui %sign3A_1 : i1 to i32
    %sign3A_3 = arith.constant 0 : i32
    %sign3A_4 = arith.cmpi slt, %add3A, %sign3A_3 : i32
    %sign3A_5 = arith.extui %sign3A_4 : i1 to i32
    %sign3A_6 = arith.subi %sign3A_2, %sign3A_5 : i32
    %sign3A_7 = arith.constant 0 : i32
    %sign3A_8 = arith.cmpi sgt, %jit3A, %sign3A_7 : i32
    %sign3A_9 = arith.extui %sign3A_8 : i1 to i32
    %sign3A_10 = arith.constant 0 : i32
    %sign3A_11 = arith.cmpi slt, %jit3A, %sign3A_10 : i32
    %sign3A_12 = arith.extui %sign3A_11 : i1 to i32
    %sign3A_13 = arith.subi %sign3A_9, %sign3A_12 : i32
    %ne3A = arith.cmpi ne, %sign3A_6, %sign3A_13 : i32
    %rem3A = arith.remsi %add3A, %jit3A : i32
    %ne3A_14 = arith.constant 0 : i32
    %ne3A_15 = arith.cmpi ne, %rem3A, %ne3A_14 : i32
    %and3A = arith.andi %ne3A, %ne3A_15 : i1
    %sub3A = arith.constant 1 : i32
    %sub3A_16 = arith.subi %div3A, %sub3A : i32
    %select_n3A = arith.select %and3A, %sub3A_16, %div3A : i32
    %jit3A_17 = arith.constant 8 : i32
    %eq3A = arith.constant 0 : i32
    %eq3A_18 = arith.cmpi eq, %jit3A_17, %eq3A : i32
    %jit3A_19 = arith.constant 1 : i32
    %select_n3A_20 = arith.select %eq3A_18, %jit3A_19, %jit3A_17 : i32
    %rem3A_21 = arith.remsi %add3A, %select_n3A_20 : i32
    %ne3A_22 = arith.constant 0 : i32
    %ne3A_23 = arith.cmpi ne, %rem3A_21, %ne3A_22 : i32
    %lt3A = arith.constant 0 : i32
    %lt3A_24 = arith.cmpi slt, %rem3A_21, %lt3A : i32
    %lt3A_25 = arith.constant 0 : i32
    %lt3A_26 = arith.cmpi slt, %select_n3A_20, %lt3A_25 : i32
    %ne3A_27 = arith.xori %lt3A_24, %lt3A_26 : i1
    %and3A_28 = arith.andi %ne3A_27, %ne3A_23 : i1
    %add3A_29 = arith.addi %rem3A_21, %select_n3A_20 : i32
    %select_n3A_30 = arith.select %and3A_28, %add3A_29, %rem3A_21 : i32
    %mul3A_31 = arith.constant 512 : i32
    %mul3A_32 = arith.muli %select_n3A_30, %mul3A_31 : i32
    "tpu.region"() ({
      %run_scoped3A = tpu.sem_alloc : memref<!tpu.dma_semaphore, #tpu.memory_space<semaphore_mem>>
      %dma_start3A_564 = tpu.memref_slice %arg2[%select_n3A, %mul3A_32] : memref<4x4096xi32, #tpu.memory_space<hbm>> -> memref<1x512xi32, #tpu.memory_space<hbm>>
      %dma_start3A_565 = tpu.memref_squeeze %dma_start3A_564 : memref<1x512xi32, #tpu.memory_space<hbm>> -> memref<512xi32, #tpu.memory_space<hbm>>
      %dma_start3A_566 = tpu.memref_slice %arg2[%select_n3A, %mul3A_32] : memref<4x4096xi32, #tpu.memory_space<hbm>> -> memref<1x512xi32, #tpu.memory_space<hbm>>
      %dma_start3A_567 = tpu.memref_squeeze %dma_start3A_566 : memref<1x512xi32, #tpu.memory_space<hbm>> -> memref<512xi32, #tpu.memory_space<hbm>>
      tpu.enqueue_dma source(%dma_start3A_567 : memref<512xi32, #tpu.memory_space<hbm>>) target(%arg5 : memref<512xi32, #tpu.memory_space<vmem>>) target_semaphore(%run_scoped3A : memref<!tpu.dma_semaphore, #tpu.memory_space<semaphore_mem>>)
      %dma_wait3A_568 = tpu.memref_slice %arg2[%select_n3A, %mul3A_32] : memref<4x4096xi32, #tpu.memory_space<hbm>> -> memref<1x512xi32, #tpu.memory_space<hbm>>
      %dma_wait3A_569 = tpu.memref_squeeze %dma_wait3A_568 : memref<1x512xi32, #tpu.memory_space<hbm>> -> memref<512xi32, #tpu.memory_space<hbm>>
      %dma_wait3A_570 = tpu.memref_slice %arg2[%select_n3A, %mul3A_32] : memref<4x4096xi32, #tpu.memory_space<hbm>> -> memref<1x512xi32, #tpu.memory_space<hbm>>
      %dma_wait3A_571 = tpu.memref_squeeze %dma_wait3A_570 : memref<1x512xi32, #tpu.memory_space<hbm>> -> memref<512xi32, #tpu.memory_space<hbm>>
      tpu.wait_dma2 semaphore(%run_scoped3A : memref<!tpu.dma_semaphore, #tpu.memory_space<semaphore_mem>>) src(%dma_wait3A_571 : memref<512xi32, #tpu.memory_space<hbm>>) dst(%arg5 : memref<512xi32, #tpu.memory_space<vmem>>)
      tpu.yield
    }) : () -> ()
    %dma_start3A = arith.constant 0 : i32
    %dma_start3A_33 = arith.constant 0 : i32
    %dma_start3A_34 = arith.constant 0 : i32
    %dma_start3A_35 = arith.constant 0 : i32
    %dma_start3A_36 = tpu.memref_slice %arg6[%dma_start3A, %dma_start3A_34, %dma_start3A_35] : memref<8x8x1024xf32, #tpu.memory_space<vmem>> -> memref<1x8x1024xf32, #tpu.memory_space<vmem>>
    %dma_start3A_37 = tpu.memref_squeeze %dma_start3A_36 : memref<1x8x1024xf32, #tpu.memory_space<vmem>> -> memref<8x1024xf32, #tpu.memory_space<vmem>>
    %dma_start3A_38 = arith.constant 0 : i32
    %dma_start3A_39 = tpu.memref_slice %arg5[%dma_start3A_38] : memref<512xi32, #tpu.memory_space<vmem>> -> memref<8xi32, #tpu.memory_space<vmem>>
    %dma_start3A_40 = arith.constant 0 : i32
    %dma_start3A_41 = arith.constant 0 : i32
    %dma_start3A_42 = tpu.memref_slice %arg3[%dma_start3A_40, %dma_start3A_41] : memref<100000x1024xf32, #tpu.memory_space<hbm>> -> memref<100000x1024xf32, #tpu.memory_space<hbm>>
    %dma_start3A_43 = tpu.memref_slice %arg7[%dma_start3A_33] : memref<8x!tpu.dma_semaphore, #tpu.memory_space<semaphore_mem>> -> memref<1x!tpu.dma_semaphore, #tpu.memory_space<semaphore_mem>>
    %dma_start3A_44 = tpu.memref_squeeze %dma_start3A_43 : memref<1x!tpu.dma_semaphore, #tpu.memory_space<semaphore_mem>> -> memref<!tpu.dma_semaphore, #tpu.memory_space<semaphore_mem>>
    tpu.enqueue_indirect_dma source(%dma_start3A_42 : memref<100000x1024xf32, #tpu.memory_space<hbm>>) target(%dma_start3A_37 : memref<8x1024xf32, #tpu.memory_space<vmem>>) offsets(%dma_start3A_39 : memref<8xi32, #tpu.memory_space<vmem>>) semaphore(%dma_start3A_44 : memref<!tpu.dma_semaphore, #tpu.memory_space<semaphore_mem>>)
    %dma_start3A_45 = arith.constant 1 : i32
    %dma_start3A_46 = arith.constant 1 : i32
    %dma_start3A_47 = arith.constant 0 : i32
    %dma_start3A_48 = arith.constant 0 : i32
    %dma_start3A_49 = tpu.memref_slice %arg6[%dma_start3A_45, %dma_start3A_47, %dma_start3A_48] : memref<8x8x1024xf32, #tpu.memory_space<vmem>> -> memref<1x8x1024xf32, #tpu.memory_space<vmem>>
    %dma_start3A_50 = tpu.memref_squeeze %dma_start3A_49 : memref<1x8x1024xf32, #tpu.memory_space<vmem>> -> memref<8x1024xf32, #tpu.memory_space<vmem>>
    %dma_start3A_51 = arith.constant 8 : i32
    %dma_start3A_52 = tpu.memref_slice %arg5[%dma_start3A_51] : memref<512xi32, #tpu.memory_space<vmem>> -> memref<8xi32, #tpu.memory_space<vmem>>
    %dma_start3A_53 = arith.constant 0 : i32
    %dma_start3A_54 = arith.constant 0 : i32
    %dma_start3A_55 = tpu.memref_slice %arg3[%dma_start3A_53, %dma_start3A_54] : memref<100000x1024xf32, #tpu.memory_space<hbm>> -> memref<100000x1024xf32, #tpu.memory_space<hbm>>
    %dma_start3A_56 = tpu.memref_slice %arg7[%dma_start3A_46] : memref<8x!tpu.dma_semaphore, #tpu.memory_space<semaphore_mem>> -> memref<1x!tpu.dma_semaphore, #tpu.memory_space<semaphore_mem>>
    %dma_start3A_57 = tpu.memref_squeeze %dma_start3A_56 : memref<1x!tpu.dma_semaphore, #tpu.memory_space<semaphore_mem>> -> memref<!tpu.dma_semaphore, #tpu.memory_space<semaphore_mem>>
    tpu.enqueue_indirect_dma source(%dma_start3A_55 : memref<100000x1024xf32, #tpu.memory_space<hbm>>) target(%dma_start3A_50 : memref<8x1024xf32, #tpu.memory_space<vmem>>) offsets(%dma_start3A_52 : memref<8xi32, #tpu.memory_space<vmem>>) semaphore(%dma_start3A_57 : memref<!tpu.dma_semaphore, #tpu.memory_space<semaphore_mem>>)
    %dma_start3A_58 = arith.constant 2 : i32
    %dma_start3A_59 = arith.constant 2 : i32
    %dma_start3A_60 = arith.constant 0 : i32
    %dma_start3A_61 = arith.constant 0 : i32
    %dma_start3A_62 = tpu.memref_slice %arg6[%dma_start3A_58, %dma_start3A_60, %dma_start3A_61] : memref<8x8x1024xf32, #tpu.memory_space<vmem>> -> memref<1x8x1024xf32, #tpu.memory_space<vmem>>
    %dma_start3A_63 = tpu.memref_squeeze %dma_start3A_62 : memref<1x8x1024xf32, #tpu.memory_space<vmem>> -> memref<8x1024xf32, #tpu.memory_space<vmem>>
    %dma_start3A_64 = arith.constant 16 : i32
    %dma_start3A_65 = tpu.memref_slice %arg5[%dma_start3A_64] : memref<512xi32, #tpu.memory_space<vmem>> -> memref<8xi32, #tpu.memory_space<vmem>>
    %dma_start3A_66 = arith.constant 0 : i32
    %dma_start3A_67 = arith.constant 0 : i32
    %dma_start3A_68 = tpu.memref_slice %arg3[%dma_start3A_66, %dma_start3A_67] : memref<100000x1024xf32, #tpu.memory_space<hbm>> -> memref<100000x1024xf32, #tpu.memory_space<hbm>>
    %dma_start3A_69 = tpu.memref_slice %arg7[%dma_start3A_59] : memref<8x!tpu.dma_semaphore, #tpu.memory_space<semaphore_mem>> -> memref<1x!tpu.dma_semaphore, #tpu.memory_space<semaphore_mem>>
    %dma_start3A_70 = tpu.memref_squeeze %dma_start3A_69 : memref<1x!tpu.dma_semaphore, #tpu.memory_space<semaphore_mem>> -> memref<!tpu.dma_semaphore, #tpu.memory_space<semaphore_mem>>
    tpu.enqueue_indirect_dma source(%dma_start3A_68 : memref<100000x1024xf32, #tpu.memory_space<hbm>>) target(%dma_start3A_63 : memref<8x1024xf32, #tpu.memory_space<vmem>>) offsets(%dma_start3A_65 : memref<8xi32, #tpu.memory_space<vmem>>) semaphore(%dma_start3A_70 : memref<!tpu.dma_semaphore, #tpu.memory_space<semaphore_mem>>)
    %dma_start3A_71 = arith.constant 3 : i32
    %dma_start3A_72 = arith.constant 3 : i32
    %dma_start3A_73 = arith.constant 0 : i32
    %dma_start3A_74 = arith.constant 0 : i32
    %dma_start3A_75 = tpu.memref_slice %arg6[%dma_start3A_71, %dma_start3A_73, %dma_start3A_74] : memref<8x8x1024xf32, #tpu.memory_space<vmem>> -> memref<1x8x1024xf32, #tpu.memory_space<vmem>>
    %dma_start3A_76 = tpu.memref_squeeze %dma_start3A_75 : memref<1x8x1024xf32, #tpu.memory_space<vmem>> -> memref<8x1024xf32, #tpu.memory_space<vmem>>
    %dma_start3A_77 = arith.constant 24 : i32
    %dma_start3A_78 = tpu.memref_slice %arg5[%dma_start3A_77] : memref<512xi32, #tpu.memory_space<vmem>> -> memref<8xi32, #tpu.memory_space<vmem>>
    %dma_start3A_79 = arith.constant 0 : i32
    %dma_start3A_80 = arith.constant 0 : i32
    %dma_start3A_81 = tpu.memref_slice %arg3[%dma_start3A_79, %dma_start3A_80] : memref<100000x1024xf32, #tpu.memory_space<hbm>> -> memref<100000x1024xf32, #tpu.memory_space<hbm>>
    %dma_start3A_82 = tpu.memref_slice %arg7[%dma_start3A_72] : memref<8x!tpu.dma_semaphore, #tpu.memory_space<semaphore_mem>> -> memref<1x!tpu.dma_semaphore, #tpu.memory_space<semaphore_mem>>
    %dma_start3A_83 = tpu.memref_squeeze %dma_start3A_82 : memref<1x!tpu.dma_semaphore, #tpu.memory_space<semaphore_mem>> -> memref<!tpu.dma_semaphore, #tpu.memory_space<semaphore_mem>>
    tpu.enqueue_indirect_dma source(%dma_start3A_81 : memref<100000x1024xf32, #tpu.memory_space<hbm>>) target(%dma_start3A_76 : memref<8x1024xf32, #tpu.memory_space<vmem>>) offsets(%dma_start3A_78 : memref<8xi32, #tpu.memory_space<vmem>>) semaphore(%dma_start3A_83 : memref<!tpu.dma_semaphore, #tpu.memory_space<semaphore_mem>>)
    %dma_start3A_84 = arith.constant 4 : i32
    %dma_start3A_85 = arith.constant 4 : i32
    %dma_start3A_86 = arith.constant 0 : i32
    %dma_start3A_87 = arith.constant 0 : i32
    %dma_start3A_88 = tpu.memref_slice %arg6[%dma_start3A_84, %dma_start3A_86, %dma_start3A_87] : memref<8x8x1024xf32, #tpu.memory_space<vmem>> -> memref<1x8x1024xf32, #tpu.memory_space<vmem>>
    %dma_start3A_89 = tpu.memref_squeeze %dma_start3A_88 : memref<1x8x1024xf32, #tpu.memory_space<vmem>> -> memref<8x1024xf32, #tpu.memory_space<vmem>>
    %dma_start3A_90 = arith.constant 32 : i32
    %dma_start3A_91 = tpu.memref_slice %arg5[%dma_start3A_90] : memref<512xi32, #tpu.memory_space<vmem>> -> memref<8xi32, #tpu.memory_space<vmem>>
    %dma_start3A_92 = arith.constant 0 : i32
    %dma_start3A_93 = arith.constant 0 : i32
    %dma_start3A_94 = tpu.memref_slice %arg3[%dma_start3A_92, %dma_start3A_93] : memref<100000x1024xf32, #tpu.memory_space<hbm>> -> memref<100000x1024xf32, #tpu.memory_space<hbm>>
    %dma_start3A_95 = tpu.memref_slice %arg7[%dma_start3A_85] : memref<8x!tpu.dma_semaphore, #tpu.memory_space<semaphore_mem>> -> memref<1x!tpu.dma_semaphore, #tpu.memory_space<semaphore_mem>>
    %dma_start3A_96 = tpu.memref_squeeze %dma_start3A_95 : memref<1x!tpu.dma_semaphore, #tpu.memory_space<semaphore_mem>> -> memref<!tpu.dma_semaphore, #tpu.memory_space<semaphore_mem>>
    tpu.enqueue_indirect_dma source(%dma_start3A_94 : memref<100000x1024xf32, #tpu.memory_space<hbm>>) target(%dma_start3A_89 : memref<8x1024xf32, #tpu.memory_space<vmem>>) offsets(%dma_start3A_91 : memref<8xi32, #tpu.memory_space<vmem>>) semaphore(%dma_start3A_96 : memref<!tpu.dma_semaphore, #tpu.memory_space<semaphore_mem>>)
    %dma_start3A_97 = arith.constant 5 : i32
    %dma_start3A_98 = arith.constant 5 : i32
    %dma_start3A_99 = arith.constant 0 : i32
    %dma_start3A_100 = arith.constant 0 : i32
    %dma_start3A_101 = tpu.memref_slice %arg6[%dma_start3A_97, %dma_start3A_99, %dma_start3A_100] : memref<8x8x1024xf32, #tpu.memory_space<vmem>> -> memref<1x8x1024xf32, #tpu.memory_space<vmem>>
    %dma_start3A_102 = tpu.memref_squeeze %dma_start3A_101 : memref<1x8x1024xf32, #tpu.memory_space<vmem>> -> memref<8x1024xf32, #tpu.memory_space<vmem>>
    %dma_start3A_103 = arith.constant 40 : i32
    %dma_start3A_104 = tpu.memref_slice %arg5[%dma_start3A_103] : memref<512xi32, #tpu.memory_space<vmem>> -> memref<8xi32, #tpu.memory_space<vmem>>
    %dma_start3A_105 = arith.constant 0 : i32
    %dma_start3A_106 = arith.constant 0 : i32
    %dma_start3A_107 = tpu.memref_slice %arg3[%dma_start3A_105, %dma_start3A_106] : memref<100000x1024xf32, #tpu.memory_space<hbm>> -> memref<100000x1024xf32, #tpu.memory_space<hbm>>
    %dma_start3A_108 = tpu.memref_slice %arg7[%dma_start3A_98] : memref<8x!tpu.dma_semaphore, #tpu.memory_space<semaphore_mem>> -> memref<1x!tpu.dma_semaphore, #tpu.memory_space<semaphore_mem>>
    %dma_start3A_109 = tpu.memref_squeeze %dma_start3A_108 : memref<1x!tpu.dma_semaphore, #tpu.memory_space<semaphore_mem>> -> memref<!tpu.dma_semaphore, #tpu.memory_space<semaphore_mem>>
    tpu.enqueue_indirect_dma source(%dma_start3A_107 : memref<100000x1024xf32, #tpu.memory_space<hbm>>) target(%dma_start3A_102 : memref<8x1024xf32, #tpu.memory_space<vmem>>) offsets(%dma_start3A_104 : memref<8xi32, #tpu.memory_space<vmem>>) semaphore(%dma_start3A_109 : memref<!tpu.dma_semaphore, #tpu.memory_space<semaphore_mem>>)
    %dma_start3A_110 = arith.constant 6 : i32
    %dma_start3A_111 = arith.constant 6 : i32
    %dma_start3A_112 = arith.constant 0 : i32
    %dma_start3A_113 = arith.constant 0 : i32
    %dma_start3A_114 = tpu.memref_slice %arg6[%dma_start3A_110, %dma_start3A_112, %dma_start3A_113] : memref<8x8x1024xf32, #tpu.memory_space<vmem>> -> memref<1x8x1024xf32, #tpu.memory_space<vmem>>
    %dma_start3A_115 = tpu.memref_squeeze %dma_start3A_114 : memref<1x8x1024xf32, #tpu.memory_space<vmem>> -> memref<8x1024xf32, #tpu.memory_space<vmem>>
    %dma_start3A_116 = arith.constant 48 : i32
    %dma_start3A_117 = tpu.memref_slice %arg5[%dma_start3A_116] : memref<512xi32, #tpu.memory_space<vmem>> -> memref<8xi32, #tpu.memory_space<vmem>>
    %dma_start3A_118 = arith.constant 0 : i32
    %dma_start3A_119 = arith.constant 0 : i32
    %dma_start3A_120 = tpu.memref_slice %arg3[%dma_start3A_118, %dma_start3A_119] : memref<100000x1024xf32, #tpu.memory_space<hbm>> -> memref<100000x1024xf32, #tpu.memory_space<hbm>>
    %dma_start3A_121 = tpu.memref_slice %arg7[%dma_start3A_111] : memref<8x!tpu.dma_semaphore, #tpu.memory_space<semaphore_mem>> -> memref<1x!tpu.dma_semaphore, #tpu.memory_space<semaphore_mem>>
    %dma_start3A_122 = tpu.memref_squeeze %dma_start3A_121 : memref<1x!tpu.dma_semaphore, #tpu.memory_space<semaphore_mem>> -> memref<!tpu.dma_semaphore, #tpu.memory_space<semaphore_mem>>
    tpu.enqueue_indirect_dma source(%dma_start3A_120 : memref<100000x1024xf32, #tpu.memory_space<hbm>>) target(%dma_start3A_115 : memref<8x1024xf32, #tpu.memory_space<vmem>>) offsets(%dma_start3A_117 : memref<8xi32, #tpu.memory_space<vmem>>) semaphore(%dma_start3A_122 : memref<!tpu.dma_semaphore, #tpu.memory_space<semaphore_mem>>)
    %dma_start3A_123 = arith.constant 7 : i32
    %dma_start3A_124 = arith.constant 7 : i32
    %dma_start3A_125 = arith.constant 0 : i32
    %dma_start3A_126 = arith.constant 0 : i32
    %dma_start3A_127 = tpu.memref_slice %arg6[%dma_start3A_123, %dma_start3A_125, %dma_start3A_126] : memref<8x8x1024xf32, #tpu.memory_space<vmem>> -> memref<1x8x1024xf32, #tpu.memory_space<vmem>>
    %dma_start3A_128 = tpu.memref_squeeze %dma_start3A_127 : memref<1x8x1024xf32, #tpu.memory_space<vmem>> -> memref<8x1024xf32, #tpu.memory_space<vmem>>
    %dma_start3A_129 = arith.constant 56 : i32
    %dma_start3A_130 = tpu.memref_slice %arg5[%dma_start3A_129] : memref<512xi32, #tpu.memory_space<vmem>> -> memref<8xi32, #tpu.memory_space<vmem>>
    %dma_start3A_131 = arith.constant 0 : i32
    %dma_start3A_132 = arith.constant 0 : i32
    %dma_start3A_133 = tpu.memref_slice %arg3[%dma_start3A_131, %dma_start3A_132] : memref<100000x1024xf32, #tpu.memory_space<hbm>> -> memref<100000x1024xf32, #tpu.memory_space<hbm>>
    %dma_start3A_134 = tpu.memref_slice %arg7[%dma_start3A_124] : memref<8x!tpu.dma_semaphore, #tpu.memory_space<semaphore_mem>> -> memref<1x!tpu.dma_semaphore, #tpu.memory_space<semaphore_mem>>
    %dma_start3A_135 = tpu.memref_squeeze %dma_start3A_134 : memref<1x!tpu.dma_semaphore, #tpu.memory_space<semaphore_mem>> -> memref<!tpu.dma_semaphore, #tpu.memory_space<semaphore_mem>>
    tpu.enqueue_indirect_dma source(%dma_start3A_133 : memref<100000x1024xf32, #tpu.memory_space<hbm>>) target(%dma_start3A_128 : memref<8x1024xf32, #tpu.memory_space<vmem>>) offsets(%dma_start3A_130 : memref<8xi32, #tpu.memory_space<vmem>>) semaphore(%dma_start3A_135 : memref<!tpu.dma_semaphore, #tpu.memory_space<semaphore_mem>>)
    %scan3A = arith.constant 0 : i32
    %scan3A_136 = arith.constant 0 : i32
    %scan3A_137 = arith.constant 7 : i32
    %scan3A_138 = arith.addi %scan3A_136, %scan3A_137 : i32
    %scan3A_139 = arith.constant 1 : i32
    scf.for %scan3A_564 = %scan3A_136 to %scan3A_138 step %scan3A_139  : i32 {
      %mul3A_565 = arith.constant 8 : i32
      %mul3A_566 = arith.muli %scan3A_564, %mul3A_565 : i32
      %add3A_567 = arith.constant 0 : i32
      %add3A_568 = arith.addi %mul3A_566, %add3A_567 : i32
      %mul3A_569 = arith.constant 8 : i32
      %mul3A_570 = arith.muli %add3A_568, %mul3A_569 : i32
      %dma_wait3A_571 = arith.constant 0 : i32
      %dma_wait3A_572 = arith.constant 0 : i32
      %dma_wait3A_573 = arith.constant 0 : i32
      %dma_wait3A_574 = arith.constant 0 : i32
      %dma_wait3A_575 = tpu.memref_slice %arg6[%dma_wait3A_571, %dma_wait3A_573, %dma_wait3A_574] : memref<8x8x1024xf32, #tpu.memory_space<vmem>> -> memref<1x8x1024xf32, #tpu.memory_space<vmem>>
      %dma_wait3A_576 = tpu.memref_squeeze %dma_wait3A_575 : memref<1x8x1024xf32, #tpu.memory_space<vmem>> -> memref<8x1024xf32, #tpu.memory_space<vmem>>
      %dma_wait3A_577 = tpu.memref_slice %arg5[%mul3A_570] : memref<512xi32, #tpu.memory_space<vmem>> -> memref<8xi32, #tpu.memory_space<vmem>>
      %dma_wait3A_578 = arith.constant 0 : i32
      %dma_wait3A_579 = arith.constant 0 : i32
      %dma_wait3A_580 = tpu.memref_slice %arg3[%dma_wait3A_578, %dma_wait3A_579] : memref<100000x1024xf32, #tpu.memory_space<hbm>> -> memref<100000x1024xf32, #tpu.memory_space<hbm>>
      %dma_wait3A_581 = tpu.memref_slice %arg7[%dma_wait3A_572] : memref<8x!tpu.dma_semaphore, #tpu.memory_space<semaphore_mem>> -> memref<1x!tpu.dma_semaphore, #tpu.memory_space<semaphore_mem>>
      %dma_wait3A_582 = tpu.memref_squeeze %dma_wait3A_581 : memref<1x!tpu.dma_semaphore, #tpu.memory_space<semaphore_mem>> -> memref<!tpu.dma_semaphore, #tpu.memory_space<semaphore_mem>>
      tpu.wait_indirect_dma semaphore(%dma_wait3A_582 : memref<!tpu.dma_semaphore, #tpu.memory_space<semaphore_mem>>) src(%dma_wait3A_580 : memref<100000x1024xf32, #tpu.memory_space<hbm>>) dst(%dma_wait3A_576 : memref<8x1024xf32, #tpu.memory_space<vmem>>)
      %add3A_583 = arith.constant 0 : i32
      %add3A_584 = arith.addi %mul3A_566, %add3A_583 : i32
      %mul3A_585 = arith.constant 8 : i32
      %mul3A_586 = arith.muli %add3A_584, %mul3A_585 : i32
      %add3A_587 = arith.addi %mul3A_32, %mul3A_586 : i32
      %dma_start3A_588 = arith.constant 0 : i32
      %dma_start3A_589 = arith.constant 0 : i32
      %dma_start3A_590 = arith.constant 0 : i32
      %dma_start3A_591 = arith.constant 0 : i32
      %dma_start3A_592 = tpu.memref_slice %arg6[%dma_start3A_588, %dma_start3A_590, %dma_start3A_591] : memref<8x8x1024xf32, #tpu.memory_space<vmem>> -> memref<1x8x1024xf32, #tpu.memory_space<vmem>>
      %dma_start3A_593 = tpu.memref_squeeze %dma_start3A_592 : memref<1x8x1024xf32, #tpu.memory_space<vmem>> -> memref<8x1024xf32, #tpu.memory_space<vmem>>
      %dma_start3A_594 = arith.constant 0 : i32
      %dma_start3A_595 = tpu.memref_slice %arg4[%select_n3A, %add3A_587, %dma_start3A_594] : memref<4x4096x1024xf32, #tpu.memory_space<hbm>> -> memref<1x8x1024xf32, #tpu.memory_space<hbm>>
      %dma_start3A_596 = tpu.memref_squeeze %dma_start3A_595 : memref<1x8x1024xf32, #tpu.memory_space<hbm>> -> memref<8x1024xf32, #tpu.memory_space<hbm>>
      %dma_start3A_597 = tpu.memref_slice %arg8[%dma_start3A_589] : memref<8x!tpu.dma_semaphore, #tpu.memory_space<semaphore_mem>> -> memref<1x!tpu.dma_semaphore, #tpu.memory_space<semaphore_mem>>
      %dma_start3A_598 = tpu.memref_squeeze %dma_start3A_597 : memref<1x!tpu.dma_semaphore, #tpu.memory_space<semaphore_mem>> -> memref<!tpu.dma_semaphore, #tpu.memory_space<semaphore_mem>>
      %dma_start3A_599 = arith.constant 0 : i32
      %dma_start3A_600 = tpu.memref_slice %arg4[%select_n3A, %add3A_587, %dma_start3A_599] : memref<4x4096x1024xf32, #tpu.memory_space<hbm>> -> memref<1x8x1024xf32, #tpu.memory_space<hbm>>
      %dma_start3A_601 = tpu.memref_squeeze %dma_start3A_600 : memref<1x8x1024xf32, #tpu.memory_space<hbm>> -> memref<8x1024xf32, #tpu.memory_space<hbm>>
      %dma_start3A_602 = arith.constant 0 : i32
      %dma_start3A_603 = arith.constant 0 : i32
      %dma_start3A_604 = tpu.memref_slice %arg6[%dma_start3A_588, %dma_start3A_602, %dma_start3A_603] : memref<8x8x1024xf32, #tpu.memory_space<vmem>> -> memref<1x8x1024xf32, #tpu.memory_space<vmem>>
      %dma_start3A_605 = tpu.memref_squeeze %dma_start3A_604 : memref<1x8x1024xf32, #tpu.memory_space<vmem>> -> memref<8x1024xf32, #tpu.memory_space<vmem>>
      tpu.enqueue_dma source(%dma_start3A_605 : memref<8x1024xf32, #tpu.memory_space<vmem>>) target(%dma_start3A_601 : memref<8x1024xf32, #tpu.memory_space<hbm>>) target_semaphore(%dma_start3A_598 : memref<!tpu.dma_semaphore, #tpu.memory_space<semaphore_mem>>)
      %add3A_606 = arith.constant 1 : i32
      %add3A_607 = arith.addi %mul3A_566, %add3A_606 : i32
      %mul3A_608 = arith.constant 8 : i32
      %mul3A_609 = arith.muli %add3A_607, %mul3A_608 : i32
      %dma_wait3A_610 = arith.constant 1 : i32
      %dma_wait3A_611 = arith.constant 1 : i32
      %dma_wait3A_612 = arith.constant 0 : i32
      %dma_wait3A_613 = arith.constant 0 : i32
      %dma_wait3A_614 = tpu.memref_slice %arg6[%dma_wait3A_610, %dma_wait3A_612, %dma_wait3A_613] : memref<8x8x1024xf32, #tpu.memory_space<vmem>> -> memref<1x8x1024xf32, #tpu.memory_space<vmem>>
      %dma_wait3A_615 = tpu.memref_squeeze %dma_wait3A_614 : memref<1x8x1024xf32, #tpu.memory_space<vmem>> -> memref<8x1024xf32, #tpu.memory_space<vmem>>
      %dma_wait3A_616 = tpu.memref_slice %arg5[%mul3A_609] : memref<512xi32, #tpu.memory_space<vmem>> -> memref<8xi32, #tpu.memory_space<vmem>>
      %dma_wait3A_617 = arith.constant 0 : i32
      %dma_wait3A_618 = arith.constant 0 : i32
      %dma_wait3A_619 = tpu.memref_slice %arg3[%dma_wait3A_617, %dma_wait3A_618] : memref<100000x1024xf32, #tpu.memory_space<hbm>> -> memref<100000x1024xf32, #tpu.memory_space<hbm>>
      %dma_wait3A_620 = tpu.memref_slice %arg7[%dma_wait3A_611] : memref<8x!tpu.dma_semaphore, #tpu.memory_space<semaphore_mem>> -> memref<1x!tpu.dma_semaphore, #tpu.memory_space<semaphore_mem>>
      %dma_wait3A_621 = tpu.memref_squeeze %dma_wait3A_620 : memref<1x!tpu.dma_semaphore, #tpu.memory_space<semaphore_mem>> -> memref<!tpu.dma_semaphore, #tpu.memory_space<semaphore_mem>>
      tpu.wait_indirect_dma semaphore(%dma_wait3A_621 : memref<!tpu.dma_semaphore, #tpu.memory_space<semaphore_mem>>) src(%dma_wait3A_619 : memref<100000x1024xf32, #tpu.memory_space<hbm>>) dst(%dma_wait3A_615 : memref<8x1024xf32, #tpu.memory_space<vmem>>)
      %add3A_622 = arith.constant 1 : i32
      %add3A_623 = arith.addi %mul3A_566, %add3A_622 : i32
      %mul3A_624 = arith.constant 8 : i32
      %mul3A_625 = arith.muli %add3A_623, %mul3A_624 : i32
      %add3A_626 = arith.addi %mul3A_32, %mul3A_625 : i32
      %dma_start3A_627 = arith.constant 1 : i32
      %dma_start3A_628 = arith.constant 1 : i32
      %dma_start3A_629 = arith.constant 0 : i32
      %dma_start3A_630 = arith.constant 0 : i32
      %dma_start3A_631 = tpu.memref_slice %arg6[%dma_start3A_627, %dma_start3A_629, %dma_start3A_630] : memref<8x8x1024xf32, #tpu.memory_space<vmem>> -> memref<1x8x1024xf32, #tpu.memory_space<vmem>>
      %dma_start3A_632 = tpu.memref_squeeze %dma_start3A_631 : memref<1x8x1024xf32, #tpu.memory_space<vmem>> -> memref<8x1024xf32, #tpu.memory_space<vmem>>
      %dma_start3A_633 = arith.constant 0 : i32
      %dma_start3A_634 = tpu.memref_slice %arg4[%select_n3A, %add3A_626, %dma_start3A_633] : memref<4x4096x1024xf32, #tpu.memory_space<hbm>> -> memref<1x8x1024xf32, #tpu.memory_space<hbm>>
      %dma_start3A_635 = tpu.memref_squeeze %dma_start3A_634 : memref<1x8x1024xf32, #tpu.memory_space<hbm>> -> memref<8x1024xf32, #tpu.memory_space<hbm>>
      %dma_start3A_636 = tpu.memref_slice %arg8[%dma_start3A_628] : memref<8x!tpu.dma_semaphore, #tpu.memory_space<semaphore_mem>> -> memref<1x!tpu.dma_semaphore, #tpu.memory_space<semaphore_mem>>
      %dma_start3A_637 = tpu.memref_squeeze %dma_start3A_636 : memref<1x!tpu.dma_semaphore, #tpu.memory_space<semaphore_mem>> -> memref<!tpu.dma_semaphore, #tpu.memory_space<semaphore_mem>>
      %dma_start3A_638 = arith.constant 0 : i32
      %dma_start3A_639 = tpu.memref_slice %arg4[%select_n3A, %add3A_626, %dma_start3A_638] : memref<4x4096x1024xf32, #tpu.memory_space<hbm>> -> memref<1x8x1024xf32, #tpu.memory_space<hbm>>
      %dma_start3A_640 = tpu.memref_squeeze %dma_start3A_639 : memref<1x8x1024xf32, #tpu.memory_space<hbm>> -> memref<8x1024xf32, #tpu.memory_space<hbm>>
      %dma_start3A_641 = arith.constant 0 : i32
      %dma_start3A_642 = arith.constant 0 : i32
      %dma_start3A_643 = tpu.memref_slice %arg6[%dma_start3A_627, %dma_start3A_641, %dma_start3A_642] : memref<8x8x1024xf32, #tpu.memory_space<vmem>> -> memref<1x8x1024xf32, #tpu.memory_space<vmem>>
      %dma_start3A_644 = tpu.memref_squeeze %dma_start3A_643 : memref<1x8x1024xf32, #tpu.memory_space<vmem>> -> memref<8x1024xf32, #tpu.memory_space<vmem>>
      tpu.enqueue_dma source(%dma_start3A_644 : memref<8x1024xf32, #tpu.memory_space<vmem>>) target(%dma_start3A_640 : memref<8x1024xf32, #tpu.memory_space<hbm>>) target_semaphore(%dma_start3A_637 : memref<!tpu.dma_semaphore, #tpu.memory_space<semaphore_mem>>)
      %add3A_645 = arith.constant 2 : i32
      %add3A_646 = arith.addi %mul3A_566, %add3A_645 : i32
      %mul3A_647 = arith.constant 8 : i32
      %mul3A_648 = arith.muli %add3A_646, %mul3A_647 : i32
      %dma_wait3A_649 = arith.constant 2 : i32
      %dma_wait3A_650 = arith.constant 2 : i32
      %dma_wait3A_651 = arith.constant 0 : i32
      %dma_wait3A_652 = arith.constant 0 : i32
      %dma_wait3A_653 = tpu.memref_slice %arg6[%dma_wait3A_649, %dma_wait3A_651, %dma_wait3A_652] : memref<8x8x1024xf32, #tpu.memory_space<vmem>> -> memref<1x8x1024xf32, #tpu.memory_space<vmem>>
      %dma_wait3A_654 = tpu.memref_squeeze %dma_wait3A_653 : memref<1x8x1024xf32, #tpu.memory_space<vmem>> -> memref<8x1024xf32, #tpu.memory_space<vmem>>
      %dma_wait3A_655 = tpu.memref_slice %arg5[%mul3A_648] : memref<512xi32, #tpu.memory_space<vmem>> -> memref<8xi32, #tpu.memory_space<vmem>>
      %dma_wait3A_656 = arith.constant 0 : i32
      %dma_wait3A_657 = arith.constant 0 : i32
      %dma_wait3A_658 = tpu.memref_slice %arg3[%dma_wait3A_656, %dma_wait3A_657] : memref<100000x1024xf32, #tpu.memory_space<hbm>> -> memref<100000x1024xf32, #tpu.memory_space<hbm>>
      %dma_wait3A_659 = tpu.memref_slice %arg7[%dma_wait3A_650] : memref<8x!tpu.dma_semaphore, #tpu.memory_space<semaphore_mem>> -> memref<1x!tpu.dma_semaphore, #tpu.memory_space<semaphore_mem>>
      %dma_wait3A_660 = tpu.memref_squeeze %dma_wait3A_659 : memref<1x!tpu.dma_semaphore, #tpu.memory_space<semaphore_mem>> -> memref<!tpu.dma_semaphore, #tpu.memory_space<semaphore_mem>>
      tpu.wait_indirect_dma semaphore(%dma_wait3A_660 : memref<!tpu.dma_semaphore, #tpu.memory_space<semaphore_mem>>) src(%dma_wait3A_658 : memref<100000x1024xf32, #tpu.memory_space<hbm>>) dst(%dma_wait3A_654 : memref<8x1024xf32, #tpu.memory_space<vmem>>)
      %add3A_661 = arith.constant 2 : i32
      %add3A_662 = arith.addi %mul3A_566, %add3A_661 : i32
      %mul3A_663 = arith.constant 8 : i32
      %mul3A_664 = arith.muli %add3A_662, %mul3A_663 : i32
      %add3A_665 = arith.addi %mul3A_32, %mul3A_664 : i32
      %dma_start3A_666 = arith.constant 2 : i32
      %dma_start3A_667 = arith.constant 2 : i32
      %dma_start3A_668 = arith.constant 0 : i32
      %dma_start3A_669 = arith.constant 0 : i32
      %dma_start3A_670 = tpu.memref_slice %arg6[%dma_start3A_666, %dma_start3A_668, %dma_start3A_669] : memref<8x8x1024xf32, #tpu.memory_space<vmem>> -> memref<1x8x1024xf32, #tpu.memory_space<vmem>>
      %dma_start3A_671 = tpu.memref_squeeze %dma_start3A_670 : memref<1x8x1024xf32, #tpu.memory_space<vmem>> -> memref<8x1024xf32, #tpu.memory_space<vmem>>
      %dma_start3A_672 = arith.constant 0 : i32
      %dma_start3A_673 = tpu.memref_slice %arg4[%select_n3A, %add3A_665, %dma_start3A_672] : memref<4x4096x1024xf32, #tpu.memory_space<hbm>> -> memref<1x8x1024xf32, #tpu.memory_space<hbm>>
      %dma_start3A_674 = tpu.memref_squeeze %dma_start3A_673 : memref<1x8x1024xf32, #tpu.memory_space<hbm>> -> memref<8x1024xf32, #tpu.memory_space<hbm>>
      %dma_start3A_675 = tpu.memref_slice %arg8[%dma_start3A_667] : memref<8x!tpu.dma_semaphore, #tpu.memory_space<semaphore_mem>> -> memref<1x!tpu.dma_semaphore, #tpu.memory_space<semaphore_mem>>
      %dma_start3A_676 = tpu.memref_squeeze %dma_start3A_675 : memref<1x!tpu.dma_semaphore, #tpu.memory_space<semaphore_mem>> -> memref<!tpu.dma_semaphore, #tpu.memory_space<semaphore_mem>>
      %dma_start3A_677 = arith.constant 0 : i32
      %dma_start3A_678 = tpu.memref_slice %arg4[%select_n3A, %add3A_665, %dma_start3A_677] : memref<4x4096x1024xf32, #tpu.memory_space<hbm>> -> memref<1x8x1024xf32, #tpu.memory_space<hbm>>
      %dma_start3A_679 = tpu.memref_squeeze %dma_start3A_678 : memref<1x8x1024xf32, #tpu.memory_space<hbm>> -> memref<8x1024xf32, #tpu.memory_space<hbm>>
      %dma_start3A_680 = arith.constant 0 : i32
      %dma_start3A_681 = arith.constant 0 : i32
      %dma_start3A_682 = tpu.memref_slice %arg6[%dma_start3A_666, %dma_start3A_680, %dma_start3A_681] : memref<8x8x1024xf32, #tpu.memory_space<vmem>> -> memref<1x8x1024xf32, #tpu.memory_space<vmem>>
      %dma_start3A_683 = tpu.memref_squeeze %dma_start3A_682 : memref<1x8x1024xf32, #tpu.memory_space<vmem>> -> memref<8x1024xf32, #tpu.memory_space<vmem>>
      tpu.enqueue_dma source(%dma_start3A_683 : memref<8x1024xf32, #tpu.memory_space<vmem>>) target(%dma_start3A_679 : memref<8x1024xf32, #tpu.memory_space<hbm>>) target_semaphore(%dma_start3A_676 : memref<!tpu.dma_semaphore, #tpu.memory_space<semaphore_mem>>)
      %add3A_684 = arith.constant 3 : i32
      %add3A_685 = arith.addi %mul3A_566, %add3A_684 : i32
      %mul3A_686 = arith.constant 8 : i32
      %mul3A_687 = arith.muli %add3A_685, %mul3A_686 : i32
      %dma_wait3A_688 = arith.constant 3 : i32
      %dma_wait3A_689 = arith.constant 3 : i32
      %dma_wait3A_690 = arith.constant 0 : i32
      %dma_wait3A_691 = arith.constant 0 : i32
      %dma_wait3A_692 = tpu.memref_slice %arg6[%dma_wait3A_688, %dma_wait3A_690, %dma_wait3A_691] : memref<8x8x1024xf32, #tpu.memory_space<vmem>> -> memref<1x8x1024xf32, #tpu.memory_space<vmem>>
      %dma_wait3A_693 = tpu.memref_squeeze %dma_wait3A_692 : memref<1x8x1024xf32, #tpu.memory_space<vmem>> -> memref<8x1024xf32, #tpu.memory_space<vmem>>
      %dma_wait3A_694 = tpu.memref_slice %arg5[%mul3A_687] : memref<512xi32, #tpu.memory_space<vmem>> -> memref<8xi32, #tpu.memory_space<vmem>>
      %dma_wait3A_695 = arith.constant 0 : i32
      %dma_wait3A_696 = arith.constant 0 : i32
      %dma_wait3A_697 = tpu.memref_slice %arg3[%dma_wait3A_695, %dma_wait3A_696] : memref<100000x1024xf32, #tpu.memory_space<hbm>> -> memref<100000x1024xf32, #tpu.memory_space<hbm>>
      %dma_wait3A_698 = tpu.memref_slice %arg7[%dma_wait3A_689] : memref<8x!tpu.dma_semaphore, #tpu.memory_space<semaphore_mem>> -> memref<1x!tpu.dma_semaphore, #tpu.memory_space<semaphore_mem>>
      %dma_wait3A_699 = tpu.memref_squeeze %dma_wait3A_698 : memref<1x!tpu.dma_semaphore, #tpu.memory_space<semaphore_mem>> -> memref<!tpu.dma_semaphore, #tpu.memory_space<semaphore_mem>>
      tpu.wait_indirect_dma semaphore(%dma_wait3A_699 : memref<!tpu.dma_semaphore, #tpu.memory_space<semaphore_mem>>) src(%dma_wait3A_697 : memref<100000x1024xf32, #tpu.memory_space<hbm>>) dst(%dma_wait3A_693 : memref<8x1024xf32, #tpu.memory_space<vmem>>)
      %add3A_700 = arith.constant 3 : i32
      %add3A_701 = arith.addi %mul3A_566, %add3A_700 : i32
      %mul3A_702 = arith.constant 8 : i32
      %mul3A_703 = arith.muli %add3A_701, %mul3A_702 : i32
      %add3A_704 = arith.addi %mul3A_32, %mul3A_703 : i32
      %dma_start3A_705 = arith.constant 3 : i32
      %dma_start3A_706 = arith.constant 3 : i32
      %dma_start3A_707 = arith.constant 0 : i32
      %dma_start3A_708 = arith.constant 0 : i32
      %dma_start3A_709 = tpu.memref_slice %arg6[%dma_start3A_705, %dma_start3A_707, %dma_start3A_708] : memref<8x8x1024xf32, #tpu.memory_space<vmem>> -> memref<1x8x1024xf32, #tpu.memory_space<vmem>>
      %dma_start3A_710 = tpu.memref_squeeze %dma_start3A_709 : memref<1x8x1024xf32, #tpu.memory_space<vmem>> -> memref<8x1024xf32, #tpu.memory_space<vmem>>
      %dma_start3A_711 = arith.constant 0 : i32
      %dma_start3A_712 = tpu.memref_slice %arg4[%select_n3A, %add3A_704, %dma_start3A_711] : memref<4x4096x1024xf32, #tpu.memory_space<hbm>> -> memref<1x8x1024xf32, #tpu.memory_space<hbm>>
      %dma_start3A_713 = tpu.memref_squeeze %dma_start3A_712 : memref<1x8x1024xf32, #tpu.memory_space<hbm>> -> memref<8x1024xf32, #tpu.memory_space<hbm>>
      %dma_start3A_714 = tpu.memref_slice %arg8[%dma_start3A_706] : memref<8x!tpu.dma_semaphore, #tpu.memory_space<semaphore_mem>> -> memref<1x!tpu.dma_semaphore, #tpu.memory_space<semaphore_mem>>
      %dma_start3A_715 = tpu.memref_squeeze %dma_start3A_714 : memref<1x!tpu.dma_semaphore, #tpu.memory_space<semaphore_mem>> -> memref<!tpu.dma_semaphore, #tpu.memory_space<semaphore_mem>>
      %dma_start3A_716 = arith.constant 0 : i32
      %dma_start3A_717 = tpu.memref_slice %arg4[%select_n3A, %add3A_704, %dma_start3A_716] : memref<4x4096x1024xf32, #tpu.memory_space<hbm>> -> memref<1x8x1024xf32, #tpu.memory_space<hbm>>
      %dma_start3A_718 = tpu.memref_squeeze %dma_start3A_717 : memref<1x8x1024xf32, #tpu.memory_space<hbm>> -> memref<8x1024xf32, #tpu.memory_space<hbm>>
      %dma_start3A_719 = arith.constant 0 : i32
      %dma_start3A_720 = arith.constant 0 : i32
      %dma_start3A_721 = tpu.memref_slice %arg6[%dma_start3A_705, %dma_start3A_719, %dma_start3A_720] : memref<8x8x1024xf32, #tpu.memory_space<vmem>> -> memref<1x8x1024xf32, #tpu.memory_space<vmem>>
      %dma_start3A_722 = tpu.memref_squeeze %dma_start3A_721 : memref<1x8x1024xf32, #tpu.memory_space<vmem>> -> memref<8x1024xf32, #tpu.memory_space<vmem>>
      tpu.enqueue_dma source(%dma_start3A_722 : memref<8x1024xf32, #tpu.memory_space<vmem>>) target(%dma_start3A_718 : memref<8x1024xf32, #tpu.memory_space<hbm>>) target_semaphore(%dma_start3A_715 : memref<!tpu.dma_semaphore, #tpu.memory_space<semaphore_mem>>)
      %add3A_723 = arith.constant 4 : i32
      %add3A_724 = arith.addi %mul3A_566, %add3A_723 : i32
      %mul3A_725 = arith.constant 8 : i32
      %mul3A_726 = arith.muli %add3A_724, %mul3A_725 : i32
      %dma_wait3A_727 = arith.constant 4 : i32
      %dma_wait3A_728 = arith.constant 4 : i32
      %dma_wait3A_729 = arith.constant 0 : i32
      %dma_wait3A_730 = arith.constant 0 : i32
      %dma_wait3A_731 = tpu.memref_slice %arg6[%dma_wait3A_727, %dma_wait3A_729, %dma_wait3A_730] : memref<8x8x1024xf32, #tpu.memory_space<vmem>> -> memref<1x8x1024xf32, #tpu.memory_space<vmem>>
      %dma_wait3A_732 = tpu.memref_squeeze %dma_wait3A_731 : memref<1x8x1024xf32, #tpu.memory_space<vmem>> -> memref<8x1024xf32, #tpu.memory_space<vmem>>
      %dma_wait3A_733 = tpu.memref_slice %arg5[%mul3A_726] : memref<512xi32, #tpu.memory_space<vmem>> -> memref<8xi32, #tpu.memory_space<vmem>>
      %dma_wait3A_734 = arith.constant 0 : i32
      %dma_wait3A_735 = arith.constant 0 : i32
      %dma_wait3A_736 = tpu.memref_slice %arg3[%dma_wait3A_734, %dma_wait3A_735] : memref<100000x1024xf32, #tpu.memory_space<hbm>> -> memref<100000x1024xf32, #tpu.memory_space<hbm>>
      %dma_wait3A_737 = tpu.memref_slice %arg7[%dma_wait3A_728] : memref<8x!tpu.dma_semaphore, #tpu.memory_space<semaphore_mem>> -> memref<1x!tpu.dma_semaphore, #tpu.memory_space<semaphore_mem>>
      %dma_wait3A_738 = tpu.memref_squeeze %dma_wait3A_737 : memref<1x!tpu.dma_semaphore, #tpu.memory_space<semaphore_mem>> -> memref<!tpu.dma_semaphore, #tpu.memory_space<semaphore_mem>>
      tpu.wait_indirect_dma semaphore(%dma_wait3A_738 : memref<!tpu.dma_semaphore, #tpu.memory_space<semaphore_mem>>) src(%dma_wait3A_736 : memref<100000x1024xf32, #tpu.memory_space<hbm>>) dst(%dma_wait3A_732 : memref<8x1024xf32, #tpu.memory_space<vmem>>)
      %add3A_739 = arith.constant 4 : i32
      %add3A_740 = arith.addi %mul3A_566, %add3A_739 : i32
      %mul3A_741 = arith.constant 8 : i32
      %mul3A_742 = arith.muli %add3A_740, %mul3A_741 : i32
      %add3A_743 = arith.addi %mul3A_32, %mul3A_742 : i32
      %dma_start3A_744 = arith.constant 4 : i32
      %dma_start3A_745 = arith.constant 4 : i32
      %dma_start3A_746 = arith.constant 0 : i32
      %dma_start3A_747 = arith.constant 0 : i32
      %dma_start3A_748 = tpu.memref_slice %arg6[%dma_start3A_744, %dma_start3A_746, %dma_start3A_747] : memref<8x8x1024xf32, #tpu.memory_space<vmem>> -> memref<1x8x1024xf32, #tpu.memory_space<vmem>>
      %dma_start3A_749 = tpu.memref_squeeze %dma_start3A_748 : memref<1x8x1024xf32, #tpu.memory_space<vmem>> -> memref<8x1024xf32, #tpu.memory_space<vmem>>
      %dma_start3A_750 = arith.constant 0 : i32
      %dma_start3A_751 = tpu.memref_slice %arg4[%select_n3A, %add3A_743, %dma_start3A_750] : memref<4x4096x1024xf32, #tpu.memory_space<hbm>> -> memref<1x8x1024xf32, #tpu.memory_space<hbm>>
      %dma_start3A_752 = tpu.memref_squeeze %dma_start3A_751 : memref<1x8x1024xf32, #tpu.memory_space<hbm>> -> memref<8x1024xf32, #tpu.memory_space<hbm>>
      %dma_start3A_753 = tpu.memref_slice %arg8[%dma_start3A_745] : memref<8x!tpu.dma_semaphore, #tpu.memory_space<semaphore_mem>> -> memref<1x!tpu.dma_semaphore, #tpu.memory_space<semaphore_mem>>
      %dma_start3A_754 = tpu.memref_squeeze %dma_start3A_753 : memref<1x!tpu.dma_semaphore, #tpu.memory_space<semaphore_mem>> -> memref<!tpu.dma_semaphore, #tpu.memory_space<semaphore_mem>>
      %dma_start3A_755 = arith.constant 0 : i32
      %dma_start3A_756 = tpu.memref_slice %arg4[%select_n3A, %add3A_743, %dma_start3A_755] : memref<4x4096x1024xf32, #tpu.memory_space<hbm>> -> memref<1x8x1024xf32, #tpu.memory_space<hbm>>
      %dma_start3A_757 = tpu.memref_squeeze %dma_start3A_756 : memref<1x8x1024xf32, #tpu.memory_space<hbm>> -> memref<8x1024xf32, #tpu.memory_space<hbm>>
      %dma_start3A_758 = arith.constant 0 : i32
      %dma_start3A_759 = arith.constant 0 : i32
      %dma_start3A_760 = tpu.memref_slice %arg6[%dma_start3A_744, %dma_start3A_758, %dma_start3A_759] : memref<8x8x1024xf32, #tpu.memory_space<vmem>> -> memref<1x8x1024xf32, #tpu.memory_space<vmem>>
      %dma_start3A_761 = tpu.memref_squeeze %dma_start3A_760 : memref<1x8x1024xf32, #tpu.memory_space<vmem>> -> memref<8x1024xf32, #tpu.memory_space<vmem>>
      tpu.enqueue_dma source(%dma_start3A_761 : memref<8x1024xf32, #tpu.memory_space<vmem>>) target(%dma_start3A_757 : memref<8x1024xf32, #tpu.memory_space<hbm>>) target_semaphore(%dma_start3A_754 : memref<!tpu.dma_semaphore, #tpu.memory_space<semaphore_mem>>)
      %add3A_762 = arith.constant 5 : i32
      %add3A_763 = arith.addi %mul3A_566, %add3A_762 : i32
      %mul3A_764 = arith.constant 8 : i32
      %mul3A_765 = arith.muli %add3A_763, %mul3A_764 : i32
      %dma_wait3A_766 = arith.constant 5 : i32
      %dma_wait3A_767 = arith.constant 5 : i32
      %dma_wait3A_768 = arith.constant 0 : i32
      %dma_wait3A_769 = arith.constant 0 : i32
      %dma_wait3A_770 = tpu.memref_slice %arg6[%dma_wait3A_766, %dma_wait3A_768, %dma_wait3A_769] : memref<8x8x1024xf32, #tpu.memory_space<vmem>> -> memref<1x8x1024xf32, #tpu.memory_space<vmem>>
      %dma_wait3A_771 = tpu.memref_squeeze %dma_wait3A_770 : memref<1x8x1024xf32, #tpu.memory_space<vmem>> -> memref<8x1024xf32, #tpu.memory_space<vmem>>
      %dma_wait3A_772 = tpu.memref_slice %arg5[%mul3A_765] : memref<512xi32, #tpu.memory_space<vmem>> -> memref<8xi32, #tpu.memory_space<vmem>>
      %dma_wait3A_773 = arith.constant 0 : i32
      %dma_wait3A_774 = arith.constant 0 : i32
      %dma_wait3A_775 = tpu.memref_slice %arg3[%dma_wait3A_773, %dma_wait3A_774] : memref<100000x1024xf32, #tpu.memory_space<hbm>> -> memref<100000x1024xf32, #tpu.memory_space<hbm>>
      %dma_wait3A_776 = tpu.memref_slice %arg7[%dma_wait3A_767] : memref<8x!tpu.dma_semaphore, #tpu.memory_space<semaphore_mem>> -> memref<1x!tpu.dma_semaphore, #tpu.memory_space<semaphore_mem>>
      %dma_wait3A_777 = tpu.memref_squeeze %dma_wait3A_776 : memref<1x!tpu.dma_semaphore, #tpu.memory_space<semaphore_mem>> -> memref<!tpu.dma_semaphore, #tpu.memory_space<semaphore_mem>>
      tpu.wait_indirect_dma semaphore(%dma_wait3A_777 : memref<!tpu.dma_semaphore, #tpu.memory_space<semaphore_mem>>) src(%dma_wait3A_775 : memref<100000x1024xf32, #tpu.memory_space<hbm>>) dst(%dma_wait3A_771 : memref<8x1024xf32, #tpu.memory_space<vmem>>)
      %add3A_778 = arith.constant 5 : i32
      %add3A_779 = arith.addi %mul3A_566, %add3A_778 : i32
      %mul3A_780 = arith.constant 8 : i32
      %mul3A_781 = arith.muli %add3A_779, %mul3A_780 : i32
      %add3A_782 = arith.addi %mul3A_32, %mul3A_781 : i32
      %dma_start3A_783 = arith.constant 5 : i32
      %dma_start3A_784 = arith.constant 5 : i32
      %dma_start3A_785 = arith.constant 0 : i32
      %dma_start3A_786 = arith.constant 0 : i32
      %dma_start3A_787 = tpu.memref_slice %arg6[%dma_start3A_783, %dma_start3A_785, %dma_start3A_786] : memref<8x8x1024xf32, #tpu.memory_space<vmem>> -> memref<1x8x1024xf32, #tpu.memory_space<vmem>>
      %dma_start3A_788 = tpu.memref_squeeze %dma_start3A_787 : memref<1x8x1024xf32, #tpu.memory_space<vmem>> -> memref<8x1024xf32, #tpu.memory_space<vmem>>
      %dma_start3A_789 = arith.constant 0 : i32
      %dma_start3A_790 = tpu.memref_slice %arg4[%select_n3A, %add3A_782, %dma_start3A_789] : memref<4x4096x1024xf32, #tpu.memory_space<hbm>> -> memref<1x8x1024xf32, #tpu.memory_space<hbm>>
      %dma_start3A_791 = tpu.memref_squeeze %dma_start3A_790 : memref<1x8x1024xf32, #tpu.memory_space<hbm>> -> memref<8x1024xf32, #tpu.memory_space<hbm>>
      %dma_start3A_792 = tpu.memref_slice %arg8[%dma_start3A_784] : memref<8x!tpu.dma_semaphore, #tpu.memory_space<semaphore_mem>> -> memref<1x!tpu.dma_semaphore, #tpu.memory_space<semaphore_mem>>
      %dma_start3A_793 = tpu.memref_squeeze %dma_start3A_792 : memref<1x!tpu.dma_semaphore, #tpu.memory_space<semaphore_mem>> -> memref<!tpu.dma_semaphore, #tpu.memory_space<semaphore_mem>>
      %dma_start3A_794 = arith.constant 0 : i32
      %dma_start3A_795 = tpu.memref_slice %arg4[%select_n3A, %add3A_782, %dma_start3A_794] : memref<4x4096x1024xf32, #tpu.memory_space<hbm>> -> memref<1x8x1024xf32, #tpu.memory_space<hbm>>
      %dma_start3A_796 = tpu.memref_squeeze %dma_start3A_795 : memref<1x8x1024xf32, #tpu.memory_space<hbm>> -> memref<8x1024xf32, #tpu.memory_space<hbm>>
      %dma_start3A_797 = arith.constant 0 : i32
      %dma_start3A_798 = arith.constant 0 : i32
      %dma_start3A_799 = tpu.memref_slice %arg6[%dma_start3A_783, %dma_start3A_797, %dma_start3A_798] : memref<8x8x1024xf32, #tpu.memory_space<vmem>> -> memref<1x8x1024xf32, #tpu.memory_space<vmem>>
      %dma_start3A_800 = tpu.memref_squeeze %dma_start3A_799 : memref<1x8x1024xf32, #tpu.memory_space<vmem>> -> memref<8x1024xf32, #tpu.memory_space<vmem>>
      tpu.enqueue_dma source(%dma_start3A_800 : memref<8x1024xf32, #tpu.memory_space<vmem>>) target(%dma_start3A_796 : memref<8x1024xf32, #tpu.memory_space<hbm>>) target_semaphore(%dma_start3A_793 : memref<!tpu.dma_semaphore, #tpu.memory_space<semaphore_mem>>)
      %add3A_801 = arith.constant 6 : i32
      %add3A_802 = arith.addi %mul3A_566, %add3A_801 : i32
      %mul3A_803 = arith.constant 8 : i32
      %mul3A_804 = arith.muli %add3A_802, %mul3A_803 : i32
      %dma_wait3A_805 = arith.constant 6 : i32
      %dma_wait3A_806 = arith.constant 6 : i32
      %dma_wait3A_807 = arith.constant 0 : i32
      %dma_wait3A_808 = arith.constant 0 : i32
      %dma_wait3A_809 = tpu.memref_slice %arg6[%dma_wait3A_805, %dma_wait3A_807, %dma_wait3A_808] : memref<8x8x1024xf32, #tpu.memory_space<vmem>> -> memref<1x8x1024xf32, #tpu.memory_space<vmem>>
      %dma_wait3A_810 = tpu.memref_squeeze %dma_wait3A_809 : memref<1x8x1024xf32, #tpu.memory_space<vmem>> -> memref<8x1024xf32, #tpu.memory_space<vmem>>
      %dma_wait3A_811 = tpu.memref_slice %arg5[%mul3A_804] : memref<512xi32, #tpu.memory_space<vmem>> -> memref<8xi32, #tpu.memory_space<vmem>>
      %dma_wait3A_812 = arith.constant 0 : i32
      %dma_wait3A_813 = arith.constant 0 : i32
      %dma_wait3A_814 = tpu.memref_slice %arg3[%dma_wait3A_812, %dma_wait3A_813] : memref<100000x1024xf32, #tpu.memory_space<hbm>> -> memref<100000x1024xf32, #tpu.memory_space<hbm>>
      %dma_wait3A_815 = tpu.memref_slice %arg7[%dma_wait3A_806] : memref<8x!tpu.dma_semaphore, #tpu.memory_space<semaphore_mem>> -> memref<1x!tpu.dma_semaphore, #tpu.memory_space<semaphore_mem>>
      %dma_wait3A_816 = tpu.memref_squeeze %dma_wait3A_815 : memref<1x!tpu.dma_semaphore, #tpu.memory_space<semaphore_mem>> -> memref<!tpu.dma_semaphore, #tpu.memory_space<semaphore_mem>>
      tpu.wait_indirect_dma semaphore(%dma_wait3A_816 : memref<!tpu.dma_semaphore, #tpu.memory_space<semaphore_mem>>) src(%dma_wait3A_814 : memref<100000x1024xf32, #tpu.memory_space<hbm>>) dst(%dma_wait3A_810 : memref<8x1024xf32, #tpu.memory_space<vmem>>)
      %add3A_817 = arith.constant 6 : i32
      %add3A_818 = arith.addi %mul3A_566, %add3A_817 : i32
      %mul3A_819 = arith.constant 8 : i32
      %mul3A_820 = arith.muli %add3A_818, %mul3A_819 : i32
      %add3A_821 = arith.addi %mul3A_32, %mul3A_820 : i32
      %dma_start3A_822 = arith.constant 6 : i32
      %dma_start3A_823 = arith.constant 6 : i32
      %dma_start3A_824 = arith.constant 0 : i32
      %dma_start3A_825 = arith.constant 0 : i32
      %dma_start3A_826 = tpu.memref_slice %arg6[%dma_start3A_822, %dma_start3A_824, %dma_start3A_825] : memref<8x8x1024xf32, #tpu.memory_space<vmem>> -> memref<1x8x1024xf32, #tpu.memory_space<vmem>>
      %dma_start3A_827 = tpu.memref_squeeze %dma_start3A_826 : memref<1x8x1024xf32, #tpu.memory_space<vmem>> -> memref<8x1024xf32, #tpu.memory_space<vmem>>
      %dma_start3A_828 = arith.constant 0 : i32
      %dma_start3A_829 = tpu.memref_slice %arg4[%select_n3A, %add3A_821, %dma_start3A_828] : memref<4x4096x1024xf32, #tpu.memory_space<hbm>> -> memref<1x8x1024xf32, #tpu.memory_space<hbm>>
      %dma_start3A_830 = tpu.memref_squeeze %dma_start3A_829 : memref<1x8x1024xf32, #tpu.memory_space<hbm>> -> memref<8x1024xf32, #tpu.memory_space<hbm>>
      %dma_start3A_831 = tpu.memref_slice %arg8[%dma_start3A_823] : memref<8x!tpu.dma_semaphore, #tpu.memory_space<semaphore_mem>> -> memref<1x!tpu.dma_semaphore, #tpu.memory_space<semaphore_mem>>
      %dma_start3A_832 = tpu.memref_squeeze %dma_start3A_831 : memref<1x!tpu.dma_semaphore, #tpu.memory_space<semaphore_mem>> -> memref<!tpu.dma_semaphore, #tpu.memory_space<semaphore_mem>>
      %dma_start3A_833 = arith.constant 0 : i32
      %dma_start3A_834 = tpu.memref_slice %arg4[%select_n3A, %add3A_821, %dma_start3A_833] : memref<4x4096x1024xf32, #tpu.memory_space<hbm>> -> memref<1x8x1024xf32, #tpu.memory_space<hbm>>
      %dma_start3A_835 = tpu.memref_squeeze %dma_start3A_834 : memref<1x8x1024xf32, #tpu.memory_space<hbm>> -> memref<8x1024xf32, #tpu.memory_space<hbm>>
      %dma_start3A_836 = arith.constant 0 : i32
      %dma_start3A_837 = arith.constant 0 : i32
      %dma_start3A_838 = tpu.memref_slice %arg6[%dma_start3A_822, %dma_start3A_836, %dma_start3A_837] : memref<8x8x1024xf32, #tpu.memory_space<vmem>> -> memref<1x8x1024xf32, #tpu.memory_space<vmem>>
      %dma_start3A_839 = tpu.memref_squeeze %dma_start3A_838 : memref<1x8x1024xf32, #tpu.memory_space<vmem>> -> memref<8x1024xf32, #tpu.memory_space<vmem>>
      tpu.enqueue_dma source(%dma_start3A_839 : memref<8x1024xf32, #tpu.memory_space<vmem>>) target(%dma_start3A_835 : memref<8x1024xf32, #tpu.memory_space<hbm>>) target_semaphore(%dma_start3A_832 : memref<!tpu.dma_semaphore, #tpu.memory_space<semaphore_mem>>)
      %add3A_840 = arith.constant 7 : i32
      %add3A_841 = arith.addi %mul3A_566, %add3A_840 : i32
      %mul3A_842 = arith.constant 8 : i32
      %mul3A_843 = arith.muli %add3A_841, %mul3A_842 : i32
      %dma_wait3A_844 = arith.constant 7 : i32
      %dma_wait3A_845 = arith.constant 7 : i32
      %dma_wait3A_846 = arith.constant 0 : i32
      %dma_wait3A_847 = arith.constant 0 : i32
      %dma_wait3A_848 = tpu.memref_slice %arg6[%dma_wait3A_844, %dma_wait3A_846, %dma_wait3A_847] : memref<8x8x1024xf32, #tpu.memory_space<vmem>> -> memref<1x8x1024xf32, #tpu.memory_space<vmem>>
      %dma_wait3A_849 = tpu.memref_squeeze %dma_wait3A_848 : memref<1x8x1024xf32, #tpu.memory_space<vmem>> -> memref<8x1024xf32, #tpu.memory_space<vmem>>
      %dma_wait3A_850 = tpu.memref_slice %arg5[%mul3A_843] : memref<512xi32, #tpu.memory_space<vmem>> -> memref<8xi32, #tpu.memory_space<vmem>>
      %dma_wait3A_851 = arith.constant 0 : i32
      %dma_wait3A_852 = arith.constant 0 : i32
      %dma_wait3A_853 = tpu.memref_slice %arg3[%dma_wait3A_851, %dma_wait3A_852] : memref<100000x1024xf32, #tpu.memory_space<hbm>> -> memref<100000x1024xf32, #tpu.memory_space<hbm>>
      %dma_wait3A_854 = tpu.memref_slice %arg7[%dma_wait3A_845] : memref<8x!tpu.dma_semaphore, #tpu.memory_space<semaphore_mem>> -> memref<1x!tpu.dma_semaphore, #tpu.memory_space<semaphore_mem>>
      %dma_wait3A_855 = tpu.memref_squeeze %dma_wait3A_854 : memref<1x!tpu.dma_semaphore, #tpu.memory_space<semaphore_mem>> -> memref<!tpu.dma_semaphore, #tpu.memory_space<semaphore_mem>>
      tpu.wait_indirect_dma semaphore(%dma_wait3A_855 : memref<!tpu.dma_semaphore, #tpu.memory_space<semaphore_mem>>) src(%dma_wait3A_853 : memref<100000x1024xf32, #tpu.memory_space<hbm>>) dst(%dma_wait3A_849 : memref<8x1024xf32, #tpu.memory_space<vmem>>)
      %add3A_856 = arith.constant 7 : i32
      %add3A_857 = arith.addi %mul3A_566, %add3A_856 : i32
      %mul3A_858 = arith.constant 8 : i32
      %mul3A_859 = arith.muli %add3A_857, %mul3A_858 : i32
      %add3A_860 = arith.addi %mul3A_32, %mul3A_859 : i32
      %dma_start3A_861 = arith.constant 7 : i32
      %dma_start3A_862 = arith.constant 7 : i32
      %dma_start3A_863 = arith.constant 0 : i32
      %dma_start3A_864 = arith.constant 0 : i32
      %dma_start3A_865 = tpu.memref_slice %arg6[%dma_start3A_861, %dma_start3A_863, %dma_start3A_864] : memref<8x8x1024xf32, #tpu.memory_space<vmem>> -> memref<1x8x1024xf32, #tpu.memory_space<vmem>>
      %dma_start3A_866 = tpu.memref_squeeze %dma_start3A_865 : memref<1x8x1024xf32, #tpu.memory_space<vmem>> -> memref<8x1024xf32, #tpu.memory_space<vmem>>
      %dma_start3A_867 = arith.constant 0 : i32
      %dma_start3A_868 = tpu.memref_slice %arg4[%select_n3A, %add3A_860, %dma_start3A_867] : memref<4x4096x1024xf32, #tpu.memory_space<hbm>> -> memref<1x8x1024xf32, #tpu.memory_space<hbm>>
      %dma_start3A_869 = tpu.memref_squeeze %dma_start3A_868 : memref<1x8x1024xf32, #tpu.memory_space<hbm>> -> memref<8x1024xf32, #tpu.memory_space<hbm>>
      %dma_start3A_870 = tpu.memref_slice %arg8[%dma_start3A_862] : memref<8x!tpu.dma_semaphore, #tpu.memory_space<semaphore_mem>> -> memref<1x!tpu.dma_semaphore, #tpu.memory_space<semaphore_mem>>
      %dma_start3A_871 = tpu.memref_squeeze %dma_start3A_870 : memref<1x!tpu.dma_semaphore, #tpu.memory_space<semaphore_mem>> -> memref<!tpu.dma_semaphore, #tpu.memory_space<semaphore_mem>>
      %dma_start3A_872 = arith.constant 0 : i32
      %dma_start3A_873 = tpu.memref_slice %arg4[%select_n3A, %add3A_860, %dma_start3A_872] : memref<4x4096x1024xf32, #tpu.memory_space<hbm>> -> memref<1x8x1024xf32, #tpu.memory_space<hbm>>
      %dma_start3A_874 = tpu.memref_squeeze %dma_start3A_873 : memref<1x8x1024xf32, #tpu.memory_space<hbm>> -> memref<8x1024xf32, #tpu.memory_space<hbm>>
      %dma_start3A_875 = arith.constant 0 : i32
      %dma_start3A_876 = arith.constant 0 : i32
      %dma_start3A_877 = tpu.memref_slice %arg6[%dma_start3A_861, %dma_start3A_875, %dma_start3A_876] : memref<8x8x1024xf32, #tpu.memory_space<vmem>> -> memref<1x8x1024xf32, #tpu.memory_space<vmem>>
      %dma_start3A_878 = tpu.memref_squeeze %dma_start3A_877 : memref<1x8x1024xf32, #tpu.memory_space<vmem>> -> memref<8x1024xf32, #tpu.memory_space<vmem>>
      tpu.enqueue_dma source(%dma_start3A_878 : memref<8x1024xf32, #tpu.memory_space<vmem>>) target(%dma_start3A_874 : memref<8x1024xf32, #tpu.memory_space<hbm>>) target_semaphore(%dma_start3A_871 : memref<!tpu.dma_semaphore, #tpu.memory_space<semaphore_mem>>)
      %add3A_879 = arith.constant 0 : i32
      %add3A_880 = arith.addi %mul3A_566, %add3A_879 : i32
      %mul3A_881 = arith.constant 8 : i32
      %mul3A_882 = arith.muli %add3A_880, %mul3A_881 : i32
      %add3A_883 = arith.addi %mul3A_32, %mul3A_882 : i32
      %dma_wait3A_884 = arith.constant 0 : i32
      %dma_wait3A_885 = arith.constant 0 : i32
      %dma_wait3A_886 = arith.constant 0 : i32
      %dma_wait3A_887 = arith.constant 0 : i32
      %dma_wait3A_888 = tpu.memref_slice %arg6[%dma_wait3A_884, %dma_wait3A_886, %dma_wait3A_887] : memref<8x8x1024xf32, #tpu.memory_space<vmem>> -> memref<1x8x1024xf32, #tpu.memory_space<vmem>>
      %dma_wait3A_889 = tpu.memref_squeeze %dma_wait3A_888 : memref<1x8x1024xf32, #tpu.memory_space<vmem>> -> memref<8x1024xf32, #tpu.memory_space<vmem>>
      %dma_wait3A_890 = arith.constant 0 : i32
      %dma_wait3A_891 = tpu.memref_slice %arg4[%select_n3A, %add3A_883, %dma_wait3A_890] : memref<4x4096x1024xf32, #tpu.memory_space<hbm>> -> memref<1x8x1024xf32, #tpu.memory_space<hbm>>
      %dma_wait3A_892 = tpu.memref_squeeze %dma_wait3A_891 : memref<1x8x1024xf32, #tpu.memory_space<hbm>> -> memref<8x1024xf32, #tpu.memory_space<hbm>>
      %dma_wait3A_893 = tpu.memref_slice %arg8[%dma_wait3A_885] : memref<8x!tpu.dma_semaphore, #tpu.memory_space<semaphore_mem>> -> memref<1x!tpu.dma_semaphore, #tpu.memory_space<semaphore_mem>>
      %dma_wait3A_894 = tpu.memref_squeeze %dma_wait3A_893 : memref<1x!tpu.dma_semaphore, #tpu.memory_space<semaphore_mem>> -> memref<!tpu.dma_semaphore, #tpu.memory_space<semaphore_mem>>
      %dma_wait3A_895 = arith.constant 0 : i32
      %dma_wait3A_896 = tpu.memref_slice %arg4[%select_n3A, %add3A_883, %dma_wait3A_895] : memref<4x4096x1024xf32, #tpu.memory_space<hbm>> -> memref<1x8x1024xf32, #tpu.memory_space<hbm>>
      %dma_wait3A_897 = tpu.memref_squeeze %dma_wait3A_896 : memref<1x8x1024xf32, #tpu.memory_space<hbm>> -> memref<8x1024xf32, #tpu.memory_space<hbm>>
      %dma_wait3A_898 = arith.constant 0 : i32
      %dma_wait3A_899 = arith.constant 0 : i32
      %dma_wait3A_900 = tpu.memref_slice %arg6[%dma_wait3A_884, %dma_wait3A_898, %dma_wait3A_899] : memref<8x8x1024xf32, #tpu.memory_space<vmem>> -> memref<1x8x1024xf32, #tpu.memory_space<vmem>>
      %dma_wait3A_901 = tpu.memref_squeeze %dma_wait3A_900 : memref<1x8x1024xf32, #tpu.memory_space<vmem>> -> memref<8x1024xf32, #tpu.memory_space<vmem>>
      tpu.wait_dma2 semaphore(%dma_wait3A_894 : memref<!tpu.dma_semaphore, #tpu.memory_space<semaphore_mem>>) src(%dma_wait3A_901 : memref<8x1024xf32, #tpu.memory_space<vmem>>) dst(%dma_wait3A_897 : memref<8x1024xf32, #tpu.memory_space<hbm>>)
      %add3A_902 = arith.constant 8 : i32
      %add3A_903 = arith.addi %mul3A_566, %add3A_902 : i32
      %add3A_904 = arith.constant 0 : i32
      %add3A_905 = arith.addi %add3A_903, %add3A_904 : i32
      %mul3A_906 = arith.constant 8 : i32
      %mul3A_907 = arith.muli %add3A_905, %mul3A_906 : i32
      %dma_start3A_908 = arith.constant 0 : i32
      %dma_start3A_909 = arith.constant 0 : i32
      %dma_start3A_910 = arith.constant 0 : i32
      %dma_start3A_911 = arith.constant 0 : i32
      %dma_start3A_912 = tpu.memref_slice %arg6[%dma_start3A_908, %dma_start3A_910, %dma_start3A_911] : memref<8x8x1024xf32, #tpu.memory_space<vmem>> -> memref<1x8x1024xf32, #tpu.memory_space<vmem>>
      %dma_start3A_913 = tpu.memref_squeeze %dma_start3A_912 : memref<1x8x1024xf32, #tpu.memory_space<vmem>> -> memref<8x1024xf32, #tpu.memory_space<vmem>>
      %dma_start3A_914 = tpu.memref_slice %arg5[%mul3A_907] : memref<512xi32, #tpu.memory_space<vmem>> -> memref<8xi32, #tpu.memory_space<vmem>>
      %dma_start3A_915 = arith.constant 0 : i32
      %dma_start3A_916 = arith.constant 0 : i32
      %dma_start3A_917 = tpu.memref_slice %arg3[%dma_start3A_915, %dma_start3A_916] : memref<100000x1024xf32, #tpu.memory_space<hbm>> -> memref<100000x1024xf32, #tpu.memory_space<hbm>>
      %dma_start3A_918 = tpu.memref_slice %arg7[%dma_start3A_909] : memref<8x!tpu.dma_semaphore, #tpu.memory_space<semaphore_mem>> -> memref<1x!tpu.dma_semaphore, #tpu.memory_space<semaphore_mem>>
      %dma_start3A_919 = tpu.memref_squeeze %dma_start3A_918 : memref<1x!tpu.dma_semaphore, #tpu.memory_space<semaphore_mem>> -> memref<!tpu.dma_semaphore, #tpu.memory_space<semaphore_mem>>
      tpu.enqueue_indirect_dma source(%dma_start3A_917 : memref<100000x1024xf32, #tpu.memory_space<hbm>>) target(%dma_start3A_913 : memref<8x1024xf32, #tpu.memory_space<vmem>>) offsets(%dma_start3A_914 : memref<8xi32, #tpu.memory_space<vmem>>) semaphore(%dma_start3A_919 : memref<!tpu.dma_semaphore, #tpu.memory_space<semaphore_mem>>)
      %add3A_920 = arith.constant 1 : i32
      %add3A_921 = arith.addi %mul3A_566, %add3A_920 : i32
      %mul3A_922 = arith.constant 8 : i32
      %mul3A_923 = arith.muli %add3A_921, %mul3A_922 : i32
      %add3A_924 = arith.addi %mul3A_32, %mul3A_923 : i32
      %dma_wait3A_925 = arith.constant 1 : i32
      %dma_wait3A_926 = arith.constant 1 : i32
      %dma_wait3A_927 = arith.constant 0 : i32
      %dma_wait3A_928 = arith.constant 0 : i32
      %dma_wait3A_929 = tpu.memref_slice %arg6[%dma_wait3A_925, %dma_wait3A_927, %dma_wait3A_928] : memref<8x8x1024xf32, #tpu.memory_space<vmem>> -> memref<1x8x1024xf32, #tpu.memory_space<vmem>>
      %dma_wait3A_930 = tpu.memref_squeeze %dma_wait3A_929 : memref<1x8x1024xf32, #tpu.memory_space<vmem>> -> memref<8x1024xf32, #tpu.memory_space<vmem>>
      %dma_wait3A_931 = arith.constant 0 : i32
      %dma_wait3A_932 = tpu.memref_slice %arg4[%select_n3A, %add3A_924, %dma_wait3A_931] : memref<4x4096x1024xf32, #tpu.memory_space<hbm>> -> memref<1x8x1024xf32, #tpu.memory_space<hbm>>
      %dma_wait3A_933 = tpu.memref_squeeze %dma_wait3A_932 : memref<1x8x1024xf32, #tpu.memory_space<hbm>> -> memref<8x1024xf32, #tpu.memory_space<hbm>>
      %dma_wait3A_934 = tpu.memref_slice %arg8[%dma_wait3A_926] : memref<8x!tpu.dma_semaphore, #tpu.memory_space<semaphore_mem>> -> memref<1x!tpu.dma_semaphore, #tpu.memory_space<semaphore_mem>>
      %dma_wait3A_935 = tpu.memref_squeeze %dma_wait3A_934 : memref<1x!tpu.dma_semaphore, #tpu.memory_space<semaphore_mem>> -> memref<!tpu.dma_semaphore, #tpu.memory_space<semaphore_mem>>
      %dma_wait3A_936 = arith.constant 0 : i32
      %dma_wait3A_937 = tpu.memref_slice %arg4[%select_n3A, %add3A_924, %dma_wait3A_936] : memref<4x4096x1024xf32, #tpu.memory_space<hbm>> -> memref<1x8x1024xf32, #tpu.memory_space<hbm>>
      %dma_wait3A_938 = tpu.memref_squeeze %dma_wait3A_937 : memref<1x8x1024xf32, #tpu.memory_space<hbm>> -> memref<8x1024xf32, #tpu.memory_space<hbm>>
      %dma_wait3A_939 = arith.constant 0 : i32
      %dma_wait3A_940 = arith.constant 0 : i32
      %dma_wait3A_941 = tpu.memref_slice %arg6[%dma_wait3A_925, %dma_wait3A_939, %dma_wait3A_940] : memref<8x8x1024xf32, #tpu.memory_space<vmem>> -> memref<1x8x1024xf32, #tpu.memory_space<vmem>>
      %dma_wait3A_942 = tpu.memref_squeeze %dma_wait3A_941 : memref<1x8x1024xf32, #tpu.memory_space<vmem>> -> memref<8x1024xf32, #tpu.memory_space<vmem>>
      tpu.wait_dma2 semaphore(%dma_wait3A_935 : memref<!tpu.dma_semaphore, #tpu.memory_space<semaphore_mem>>) src(%dma_wait3A_942 : memref<8x1024xf32, #tpu.memory_space<vmem>>) dst(%dma_wait3A_938 : memref<8x1024xf32, #tpu.memory_space<hbm>>)
      %add3A_943 = arith.constant 8 : i32
      %add3A_944 = arith.addi %mul3A_566, %add3A_943 : i32
      %add3A_945 = arith.constant 1 : i32
      %add3A_946 = arith.addi %add3A_944, %add3A_945 : i32
      %mul3A_947 = arith.constant 8 : i32
      %mul3A_948 = arith.muli %add3A_946, %mul3A_947 : i32
      %dma_start3A_949 = arith.constant 1 : i32
      %dma_start3A_950 = arith.constant 1 : i32
      %dma_start3A_951 = arith.constant 0 : i32
      %dma_start3A_952 = arith.constant 0 : i32
      %dma_start3A_953 = tpu.memref_slice %arg6[%dma_start3A_949, %dma_start3A_951, %dma_start3A_952] : memref<8x8x1024xf32, #tpu.memory_space<vmem>> -> memref<1x8x1024xf32, #tpu.memory_space<vmem>>
      %dma_start3A_954 = tpu.memref_squeeze %dma_start3A_953 : memref<1x8x1024xf32, #tpu.memory_space<vmem>> -> memref<8x1024xf32, #tpu.memory_space<vmem>>
      %dma_start3A_955 = tpu.memref_slice %arg5[%mul3A_948] : memref<512xi32, #tpu.memory_space<vmem>> -> memref<8xi32, #tpu.memory_space<vmem>>
      %dma_start3A_956 = arith.constant 0 : i32
      %dma_start3A_957 = arith.constant 0 : i32
      %dma_start3A_958 = tpu.memref_slice %arg3[%dma_start3A_956, %dma_start3A_957] : memref<100000x1024xf32, #tpu.memory_space<hbm>> -> memref<100000x1024xf32, #tpu.memory_space<hbm>>
      %dma_start3A_959 = tpu.memref_slice %arg7[%dma_start3A_950] : memref<8x!tpu.dma_semaphore, #tpu.memory_space<semaphore_mem>> -> memref<1x!tpu.dma_semaphore, #tpu.memory_space<semaphore_mem>>
      %dma_start3A_960 = tpu.memref_squeeze %dma_start3A_959 : memref<1x!tpu.dma_semaphore, #tpu.memory_space<semaphore_mem>> -> memref<!tpu.dma_semaphore, #tpu.memory_space<semaphore_mem>>
      tpu.enqueue_indirect_dma source(%dma_start3A_958 : memref<100000x1024xf32, #tpu.memory_space<hbm>>) target(%dma_start3A_954 : memref<8x1024xf32, #tpu.memory_space<vmem>>) offsets(%dma_start3A_955 : memref<8xi32, #tpu.memory_space<vmem>>) semaphore(%dma_start3A_960 : memref<!tpu.dma_semaphore, #tpu.memory_space<semaphore_mem>>)
      %add3A_961 = arith.constant 2 : i32
      %add3A_962 = arith.addi %mul3A_566, %add3A_961 : i32
      %mul3A_963 = arith.constant 8 : i32
      %mul3A_964 = arith.muli %add3A_962, %mul3A_963 : i32
      %add3A_965 = arith.addi %mul3A_32, %mul3A_964 : i32
      %dma_wait3A_966 = arith.constant 2 : i32
      %dma_wait3A_967 = arith.constant 2 : i32
      %dma_wait3A_968 = arith.constant 0 : i32
      %dma_wait3A_969 = arith.constant 0 : i32
      %dma_wait3A_970 = tpu.memref_slice %arg6[%dma_wait3A_966, %dma_wait3A_968, %dma_wait3A_969] : memref<8x8x1024xf32, #tpu.memory_space<vmem>> -> memref<1x8x1024xf32, #tpu.memory_space<vmem>>
      %dma_wait3A_971 = tpu.memref_squeeze %dma_wait3A_970 : memref<1x8x1024xf32, #tpu.memory_space<vmem>> -> memref<8x1024xf32, #tpu.memory_space<vmem>>
      %dma_wait3A_972 = arith.constant 0 : i32
      %dma_wait3A_973 = tpu.memref_slice %arg4[%select_n3A, %add3A_965, %dma_wait3A_972] : memref<4x4096x1024xf32, #tpu.memory_space<hbm>> -> memref<1x8x1024xf32, #tpu.memory_space<hbm>>
      %dma_wait3A_974 = tpu.memref_squeeze %dma_wait3A_973 : memref<1x8x1024xf32, #tpu.memory_space<hbm>> -> memref<8x1024xf32, #tpu.memory_space<hbm>>
      %dma_wait3A_975 = tpu.memref_slice %arg8[%dma_wait3A_967] : memref<8x!tpu.dma_semaphore, #tpu.memory_space<semaphore_mem>> -> memref<1x!tpu.dma_semaphore, #tpu.memory_space<semaphore_mem>>
      %dma_wait3A_976 = tpu.memref_squeeze %dma_wait3A_975 : memref<1x!tpu.dma_semaphore, #tpu.memory_space<semaphore_mem>> -> memref<!tpu.dma_semaphore, #tpu.memory_space<semaphore_mem>>
      %dma_wait3A_977 = arith.constant 0 : i32
      %dma_wait3A_978 = tpu.memref_slice %arg4[%select_n3A, %add3A_965, %dma_wait3A_977] : memref<4x4096x1024xf32, #tpu.memory_space<hbm>> -> memref<1x8x1024xf32, #tpu.memory_space<hbm>>
      %dma_wait3A_979 = tpu.memref_squeeze %dma_wait3A_978 : memref<1x8x1024xf32, #tpu.memory_space<hbm>> -> memref<8x1024xf32, #tpu.memory_space<hbm>>
      %dma_wait3A_980 = arith.constant 0 : i32
      %dma_wait3A_981 = arith.constant 0 : i32
      %dma_wait3A_982 = tpu.memref_slice %arg6[%dma_wait3A_966, %dma_wait3A_980, %dma_wait3A_981] : memref<8x8x1024xf32, #tpu.memory_space<vmem>> -> memref<1x8x1024xf32, #tpu.memory_space<vmem>>
      %dma_wait3A_983 = tpu.memref_squeeze %dma_wait3A_982 : memref<1x8x1024xf32, #tpu.memory_space<vmem>> -> memref<8x1024xf32, #tpu.memory_space<vmem>>
      tpu.wait_dma2 semaphore(%dma_wait3A_976 : memref<!tpu.dma_semaphore, #tpu.memory_space<semaphore_mem>>) src(%dma_wait3A_983 : memref<8x1024xf32, #tpu.memory_space<vmem>>) dst(%dma_wait3A_979 : memref<8x1024xf32, #tpu.memory_space<hbm>>)
      %add3A_984 = arith.constant 8 : i32
      %add3A_985 = arith.addi %mul3A_566, %add3A_984 : i32
      %add3A_986 = arith.constant 2 : i32
      %add3A_987 = arith.addi %add3A_985, %add3A_986 : i32
      %mul3A_988 = arith.constant 8 : i32
      %mul3A_989 = arith.muli %add3A_987, %mul3A_988 : i32
      %dma_start3A_990 = arith.constant 2 : i32
      %dma_start3A_991 = arith.constant 2 : i32
      %dma_start3A_992 = arith.constant 0 : i32
      %dma_start3A_993 = arith.constant 0 : i32
      %dma_start3A_994 = tpu.memref_slice %arg6[%dma_start3A_990, %dma_start3A_992, %dma_start3A_993] : memref<8x8x1024xf32, #tpu.memory_space<vmem>> -> memref<1x8x1024xf32, #tpu.memory_space<vmem>>
      %dma_start3A_995 = tpu.memref_squeeze %dma_start3A_994 : memref<1x8x1024xf32, #tpu.memory_space<vmem>> -> memref<8x1024xf32, #tpu.memory_space<vmem>>
      %dma_start3A_996 = tpu.memref_slice %arg5[%mul3A_989] : memref<512xi32, #tpu.memory_space<vmem>> -> memref<8xi32, #tpu.memory_space<vmem>>
      %dma_start3A_997 = arith.constant 0 : i32
      %dma_start3A_998 = arith.constant 0 : i32
      %dma_start3A_999 = tpu.memref_slice %arg3[%dma_start3A_997, %dma_start3A_998] : memref<100000x1024xf32, #tpu.memory_space<hbm>> -> memref<100000x1024xf32, #tpu.memory_space<hbm>>
      %dma_start3A_1000 = tpu.memref_slice %arg7[%dma_start3A_991] : memref<8x!tpu.dma_semaphore, #tpu.memory_space<semaphore_mem>> -> memref<1x!tpu.dma_semaphore, #tpu.memory_space<semaphore_mem>>
      %dma_start3A_1001 = tpu.memref_squeeze %dma_start3A_1000 : memref<1x!tpu.dma_semaphore, #tpu.memory_space<semaphore_mem>> -> memref<!tpu.dma_semaphore, #tpu.memory_space<semaphore_mem>>
      tpu.enqueue_indirect_dma source(%dma_start3A_999 : memref<100000x1024xf32, #tpu.memory_space<hbm>>) target(%dma_start3A_995 : memref<8x1024xf32, #tpu.memory_space<vmem>>) offsets(%dma_start3A_996 : memref<8xi32, #tpu.memory_space<vmem>>) semaphore(%dma_start3A_1001 : memref<!tpu.dma_semaphore, #tpu.memory_space<semaphore_mem>>)
      %add3A_1002 = arith.constant 3 : i32
      %add3A_1003 = arith.addi %mul3A_566, %add3A_1002 : i32
      %mul3A_1004 = arith.constant 8 : i32
      %mul3A_1005 = arith.muli %add3A_1003, %mul3A_1004 : i32
      %add3A_1006 = arith.addi %mul3A_32, %mul3A_1005 : i32
      %dma_wait3A_1007 = arith.constant 3 : i32
      %dma_wait3A_1008 = arith.constant 3 : i32
      %dma_wait3A_1009 = arith.constant 0 : i32
      %dma_wait3A_1010 = arith.constant 0 : i32
      %dma_wait3A_1011 = tpu.memref_slice %arg6[%dma_wait3A_1007, %dma_wait3A_1009, %dma_wait3A_1010] : memref<8x8x1024xf32, #tpu.memory_space<vmem>> -> memref<1x8x1024xf32, #tpu.memory_space<vmem>>
      %dma_wait3A_1012 = tpu.memref_squeeze %dma_wait3A_1011 : memref<1x8x1024xf32, #tpu.memory_space<vmem>> -> memref<8x1024xf32, #tpu.memory_space<vmem>>
      %dma_wait3A_1013 = arith.constant 0 : i32
      %dma_wait3A_1014 = tpu.memref_slice %arg4[%select_n3A, %add3A_1006, %dma_wait3A_1013] : memref<4x4096x1024xf32, #tpu.memory_space<hbm>> -> memref<1x8x1024xf32, #tpu.memory_space<hbm>>
      %dma_wait3A_1015 = tpu.memref_squeeze %dma_wait3A_1014 : memref<1x8x1024xf32, #tpu.memory_space<hbm>> -> memref<8x1024xf32, #tpu.memory_space<hbm>>
      %dma_wait3A_1016 = tpu.memref_slice %arg8[%dma_wait3A_1008] : memref<8x!tpu.dma_semaphore, #tpu.memory_space<semaphore_mem>> -> memref<1x!tpu.dma_semaphore, #tpu.memory_space<semaphore_mem>>
      %dma_wait3A_1017 = tpu.memref_squeeze %dma_wait3A_1016 : memref<1x!tpu.dma_semaphore, #tpu.memory_space<semaphore_mem>> -> memref<!tpu.dma_semaphore, #tpu.memory_space<semaphore_mem>>
      %dma_wait3A_1018 = arith.constant 0 : i32
      %dma_wait3A_1019 = tpu.memref_slice %arg4[%select_n3A, %add3A_1006, %dma_wait3A_1018] : memref<4x4096x1024xf32, #tpu.memory_space<hbm>> -> memref<1x8x1024xf32, #tpu.memory_space<hbm>>
      %dma_wait3A_1020 = tpu.memref_squeeze %dma_wait3A_1019 : memref<1x8x1024xf32, #tpu.memory_space<hbm>> -> memref<8x1024xf32, #tpu.memory_space<hbm>>
      %dma_wait3A_1021 = arith.constant 0 : i32
      %dma_wait3A_1022 = arith.constant 0 : i32
      %dma_wait3A_1023 = tpu.memref_slice %arg6[%dma_wait3A_1007, %dma_wait3A_1021, %dma_wait3A_1022] : memref<8x8x1024xf32, #tpu.memory_space<vmem>> -> memref<1x8x1024xf32, #tpu.memory_space<vmem>>
      %dma_wait3A_1024 = tpu.memref_squeeze %dma_wait3A_1023 : memref<1x8x1024xf32, #tpu.memory_space<vmem>> -> memref<8x1024xf32, #tpu.memory_space<vmem>>
      tpu.wait_dma2 semaphore(%dma_wait3A_1017 : memref<!tpu.dma_semaphore, #tpu.memory_space<semaphore_mem>>) src(%dma_wait3A_1024 : memref<8x1024xf32, #tpu.memory_space<vmem>>) dst(%dma_wait3A_1020 : memref<8x1024xf32, #tpu.memory_space<hbm>>)
      %add3A_1025 = arith.constant 8 : i32
      %add3A_1026 = arith.addi %mul3A_566, %add3A_1025 : i32
      %add3A_1027 = arith.constant 3 : i32
      %add3A_1028 = arith.addi %add3A_1026, %add3A_1027 : i32
      %mul3A_1029 = arith.constant 8 : i32
      %mul3A_1030 = arith.muli %add3A_1028, %mul3A_1029 : i32
      %dma_start3A_1031 = arith.constant 3 : i32
      %dma_start3A_1032 = arith.constant 3 : i32
      %dma_start3A_1033 = arith.constant 0 : i32
      %dma_start3A_1034 = arith.constant 0 : i32
      %dma_start3A_1035 = tpu.memref_slice %arg6[%dma_start3A_1031, %dma_start3A_1033, %dma_start3A_1034] : memref<8x8x1024xf32, #tpu.memory_space<vmem>> -> memref<1x8x1024xf32, #tpu.memory_space<vmem>>
      %dma_start3A_1036 = tpu.memref_squeeze %dma_start3A_1035 : memref<1x8x1024xf32, #tpu.memory_space<vmem>> -> memref<8x1024xf32, #tpu.memory_space<vmem>>
      %dma_start3A_1037 = tpu.memref_slice %arg5[%mul3A_1030] : memref<512xi32, #tpu.memory_space<vmem>> -> memref<8xi32, #tpu.memory_space<vmem>>
      %dma_start3A_1038 = arith.constant 0 : i32
      %dma_start3A_1039 = arith.constant 0 : i32
      %dma_start3A_1040 = tpu.memref_slice %arg3[%dma_start3A_1038, %dma_start3A_1039] : memref<100000x1024xf32, #tpu.memory_space<hbm>> -> memref<100000x1024xf32, #tpu.memory_space<hbm>>
      %dma_start3A_1041 = tpu.memref_slice %arg7[%dma_start3A_1032] : memref<8x!tpu.dma_semaphore, #tpu.memory_space<semaphore_mem>> -> memref<1x!tpu.dma_semaphore, #tpu.memory_space<semaphore_mem>>
      %dma_start3A_1042 = tpu.memref_squeeze %dma_start3A_1041 : memref<1x!tpu.dma_semaphore, #tpu.memory_space<semaphore_mem>> -> memref<!tpu.dma_semaphore, #tpu.memory_space<semaphore_mem>>
      tpu.enqueue_indirect_dma source(%dma_start3A_1040 : memref<100000x1024xf32, #tpu.memory_space<hbm>>) target(%dma_start3A_1036 : memref<8x1024xf32, #tpu.memory_space<vmem>>) offsets(%dma_start3A_1037 : memref<8xi32, #tpu.memory_space<vmem>>) semaphore(%dma_start3A_1042 : memref<!tpu.dma_semaphore, #tpu.memory_space<semaphore_mem>>)
      %add3A_1043 = arith.constant 4 : i32
      %add3A_1044 = arith.addi %mul3A_566, %add3A_1043 : i32
      %mul3A_1045 = arith.constant 8 : i32
      %mul3A_1046 = arith.muli %add3A_1044, %mul3A_1045 : i32
      %add3A_1047 = arith.addi %mul3A_32, %mul3A_1046 : i32
      %dma_wait3A_1048 = arith.constant 4 : i32
      %dma_wait3A_1049 = arith.constant 4 : i32
      %dma_wait3A_1050 = arith.constant 0 : i32
      %dma_wait3A_1051 = arith.constant 0 : i32
      %dma_wait3A_1052 = tpu.memref_slice %arg6[%dma_wait3A_1048, %dma_wait3A_1050, %dma_wait3A_1051] : memref<8x8x1024xf32, #tpu.memory_space<vmem>> -> memref<1x8x1024xf32, #tpu.memory_space<vmem>>
      %dma_wait3A_1053 = tpu.memref_squeeze %dma_wait3A_1052 : memref<1x8x1024xf32, #tpu.memory_space<vmem>> -> memref<8x1024xf32, #tpu.memory_space<vmem>>
      %dma_wait3A_1054 = arith.constant 0 : i32
      %dma_wait3A_1055 = tpu.memref_slice %arg4[%select_n3A, %add3A_1047, %dma_wait3A_1054] : memref<4x4096x1024xf32, #tpu.memory_space<hbm>> -> memref<1x8x1024xf32, #tpu.memory_space<hbm>>
      %dma_wait3A_1056 = tpu.memref_squeeze %dma_wait3A_1055 : memref<1x8x1024xf32, #tpu.memory_space<hbm>> -> memref<8x1024xf32, #tpu.memory_space<hbm>>
      %dma_wait3A_1057 = tpu.memref_slice %arg8[%dma_wait3A_1049] : memref<8x!tpu.dma_semaphore, #tpu.memory_space<semaphore_mem>> -> memref<1x!tpu.dma_semaphore, #tpu.memory_space<semaphore_mem>>
      %dma_wait3A_1058 = tpu.memref_squeeze %dma_wait3A_1057 : memref<1x!tpu.dma_semaphore, #tpu.memory_space<semaphore_mem>> -> memref<!tpu.dma_semaphore, #tpu.memory_space<semaphore_mem>>
      %dma_wait3A_1059 = arith.constant 0 : i32
      %dma_wait3A_1060 = tpu.memref_slice %arg4[%select_n3A, %add3A_1047, %dma_wait3A_1059] : memref<4x4096x1024xf32, #tpu.memory_space<hbm>> -> memref<1x8x1024xf32, #tpu.memory_space<hbm>>
      %dma_wait3A_1061 = tpu.memref_squeeze %dma_wait3A_1060 : memref<1x8x1024xf32, #tpu.memory_space<hbm>> -> memref<8x1024xf32, #tpu.memory_space<hbm>>
      %dma_wait3A_1062 = arith.constant 0 : i32
      %dma_wait3A_1063 = arith.constant 0 : i32
      %dma_wait3A_1064 = tpu.memref_slice %arg6[%dma_wait3A_1048, %dma_wait3A_1062, %dma_wait3A_1063] : memref<8x8x1024xf32, #tpu.memory_space<vmem>> -> memref<1x8x1024xf32, #tpu.memory_space<vmem>>
      %dma_wait3A_1065 = tpu.memref_squeeze %dma_wait3A_1064 : memref<1x8x1024xf32, #tpu.memory_space<vmem>> -> memref<8x1024xf32, #tpu.memory_space<vmem>>
      tpu.wait_dma2 semaphore(%dma_wait3A_1058 : memref<!tpu.dma_semaphore, #tpu.memory_space<semaphore_mem>>) src(%dma_wait3A_1065 : memref<8x1024xf32, #tpu.memory_space<vmem>>) dst(%dma_wait3A_1061 : memref<8x1024xf32, #tpu.memory_space<hbm>>)
      %add3A_1066 = arith.constant 8 : i32
      %add3A_1067 = arith.addi %mul3A_566, %add3A_1066 : i32
      %add3A_1068 = arith.constant 4 : i32
      %add3A_1069 = arith.addi %add3A_1067, %add3A_1068 : i32
      %mul3A_1070 = arith.constant 8 : i32
      %mul3A_1071 = arith.muli %add3A_1069, %mul3A_1070 : i32
      %dma_start3A_1072 = arith.constant 4 : i32
      %dma_start3A_1073 = arith.constant 4 : i32
      %dma_start3A_1074 = arith.constant 0 : i32
      %dma_start3A_1075 = arith.constant 0 : i32
      %dma_start3A_1076 = tpu.memref_slice %arg6[%dma_start3A_1072, %dma_start3A_1074, %dma_start3A_1075] : memref<8x8x1024xf32, #tpu.memory_space<vmem>> -> memref<1x8x1024xf32, #tpu.memory_space<vmem>>
      %dma_start3A_1077 = tpu.memref_squeeze %dma_start3A_1076 : memref<1x8x1024xf32, #tpu.memory_space<vmem>> -> memref<8x1024xf32, #tpu.memory_space<vmem>>
      %dma_start3A_1078 = tpu.memref_slice %arg5[%mul3A_1071] : memref<512xi32, #tpu.memory_space<vmem>> -> memref<8xi32, #tpu.memory_space<vmem>>
      %dma_start3A_1079 = arith.constant 0 : i32
      %dma_start3A_1080 = arith.constant 0 : i32
      %dma_start3A_1081 = tpu.memref_slice %arg3[%dma_start3A_1079, %dma_start3A_1080] : memref<100000x1024xf32, #tpu.memory_space<hbm>> -> memref<100000x1024xf32, #tpu.memory_space<hbm>>
      %dma_start3A_1082 = tpu.memref_slice %arg7[%dma_start3A_1073] : memref<8x!tpu.dma_semaphore, #tpu.memory_space<semaphore_mem>> -> memref<1x!tpu.dma_semaphore, #tpu.memory_space<semaphore_mem>>
      %dma_start3A_1083 = tpu.memref_squeeze %dma_start3A_1082 : memref<1x!tpu.dma_semaphore, #tpu.memory_space<semaphore_mem>> -> memref<!tpu.dma_semaphore, #tpu.memory_space<semaphore_mem>>
      tpu.enqueue_indirect_dma source(%dma_start3A_1081 : memref<100000x1024xf32, #tpu.memory_space<hbm>>) target(%dma_start3A_1077 : memref<8x1024xf32, #tpu.memory_space<vmem>>) offsets(%dma_start3A_1078 : memref<8xi32, #tpu.memory_space<vmem>>) semaphore(%dma_start3A_1083 : memref<!tpu.dma_semaphore, #tpu.memory_space<semaphore_mem>>)
      %add3A_1084 = arith.constant 5 : i32
      %add3A_1085 = arith.addi %mul3A_566, %add3A_1084 : i32
      %mul3A_1086 = arith.constant 8 : i32
      %mul3A_1087 = arith.muli %add3A_1085, %mul3A_1086 : i32
      %add3A_1088 = arith.addi %mul3A_32, %mul3A_1087 : i32
      %dma_wait3A_1089 = arith.constant 5 : i32
      %dma_wait3A_1090 = arith.constant 5 : i32
      %dma_wait3A_1091 = arith.constant 0 : i32
      %dma_wait3A_1092 = arith.constant 0 : i32
      %dma_wait3A_1093 = tpu.memref_slice %arg6[%dma_wait3A_1089, %dma_wait3A_1091, %dma_wait3A_1092] : memref<8x8x1024xf32, #tpu.memory_space<vmem>> -> memref<1x8x1024xf32, #tpu.memory_space<vmem>>
      %dma_wait3A_1094 = tpu.memref_squeeze %dma_wait3A_1093 : memref<1x8x1024xf32, #tpu.memory_space<vmem>> -> memref<8x1024xf32, #tpu.memory_space<vmem>>
      %dma_wait3A_1095 = arith.constant 0 : i32
      %dma_wait3A_1096 = tpu.memref_slice %arg4[%select_n3A, %add3A_1088, %dma_wait3A_1095] : memref<4x4096x1024xf32, #tpu.memory_space<hbm>> -> memref<1x8x1024xf32, #tpu.memory_space<hbm>>
      %dma_wait3A_1097 = tpu.memref_squeeze %dma_wait3A_1096 : memref<1x8x1024xf32, #tpu.memory_space<hbm>> -> memref<8x1024xf32, #tpu.memory_space<hbm>>
      %dma_wait3A_1098 = tpu.memref_slice %arg8[%dma_wait3A_1090] : memref<8x!tpu.dma_semaphore, #tpu.memory_space<semaphore_mem>> -> memref<1x!tpu.dma_semaphore, #tpu.memory_space<semaphore_mem>>
      %dma_wait3A_1099 = tpu.memref_squeeze %dma_wait3A_1098 : memref<1x!tpu.dma_semaphore, #tpu.memory_space<semaphore_mem>> -> memref<!tpu.dma_semaphore, #tpu.memory_space<semaphore_mem>>
      %dma_wait3A_1100 = arith.constant 0 : i32
      %dma_wait3A_1101 = tpu.memref_slice %arg4[%select_n3A, %add3A_1088, %dma_wait3A_1100] : memref<4x4096x1024xf32, #tpu.memory_space<hbm>> -> memref<1x8x1024xf32, #tpu.memory_space<hbm>>
      %dma_wait3A_1102 = tpu.memref_squeeze %dma_wait3A_1101 : memref<1x8x1024xf32, #tpu.memory_space<hbm>> -> memref<8x1024xf32, #tpu.memory_space<hbm>>
      %dma_wait3A_1103 = arith.constant 0 : i32
      %dma_wait3A_1104 = arith.constant 0 : i32
      %dma_wait3A_1105 = tpu.memref_slice %arg6[%dma_wait3A_1089, %dma_wait3A_1103, %dma_wait3A_1104] : memref<8x8x1024xf32, #tpu.memory_space<vmem>> -> memref<1x8x1024xf32, #tpu.memory_space<vmem>>
      %dma_wait3A_1106 = tpu.memref_squeeze %dma_wait3A_1105 : memref<1x8x1024xf32, #tpu.memory_space<vmem>> -> memref<8x1024xf32, #tpu.memory_space<vmem>>
      tpu.wait_dma2 semaphore(%dma_wait3A_1099 : memref<!tpu.dma_semaphore, #tpu.memory_space<semaphore_mem>>) src(%dma_wait3A_1106 : memref<8x1024xf32, #tpu.memory_space<vmem>>) dst(%dma_wait3A_1102 : memref<8x1024xf32, #tpu.memory_space<hbm>>)
      %add3A_1107 = arith.constant 8 : i32
      %add3A_1108 = arith.addi %mul3A_566, %add3A_1107 : i32
      %add3A_1109 = arith.constant 5 : i32
      %add3A_1110 = arith.addi %add3A_1108, %add3A_1109 : i32
      %mul3A_1111 = arith.constant 8 : i32
      %mul3A_1112 = arith.muli %add3A_1110, %mul3A_1111 : i32
      %dma_start3A_1113 = arith.constant 5 : i32
      %dma_start3A_1114 = arith.constant 5 : i32
      %dma_start3A_1115 = arith.constant 0 : i32
      %dma_start3A_1116 = arith.constant 0 : i32
      %dma_start3A_1117 = tpu.memref_slice %arg6[%dma_start3A_1113, %dma_start3A_1115, %dma_start3A_1116] : memref<8x8x1024xf32, #tpu.memory_space<vmem>> -> memref<1x8x1024xf32, #tpu.memory_space<vmem>>
      %dma_start3A_1118 = tpu.memref_squeeze %dma_start3A_1117 : memref<1x8x1024xf32, #tpu.memory_space<vmem>> -> memref<8x1024xf32, #tpu.memory_space<vmem>>
      %dma_start3A_1119 = tpu.memref_slice %arg5[%mul3A_1112] : memref<512xi32, #tpu.memory_space<vmem>> -> memref<8xi32, #tpu.memory_space<vmem>>
      %dma_start3A_1120 = arith.constant 0 : i32
      %dma_start3A_1121 = arith.constant 0 : i32
      %dma_start3A_1122 = tpu.memref_slice %arg3[%dma_start3A_1120, %dma_start3A_1121] : memref<100000x1024xf32, #tpu.memory_space<hbm>> -> memref<100000x1024xf32, #tpu.memory_space<hbm>>
      %dma_start3A_1123 = tpu.memref_slice %arg7[%dma_start3A_1114] : memref<8x!tpu.dma_semaphore, #tpu.memory_space<semaphore_mem>> -> memref<1x!tpu.dma_semaphore, #tpu.memory_space<semaphore_mem>>
      %dma_start3A_1124 = tpu.memref_squeeze %dma_start3A_1123 : memref<1x!tpu.dma_semaphore, #tpu.memory_space<semaphore_mem>> -> memref<!tpu.dma_semaphore, #tpu.memory_space<semaphore_mem>>
      tpu.enqueue_indirect_dma source(%dma_start3A_1122 : memref<100000x1024xf32, #tpu.memory_space<hbm>>) target(%dma_start3A_1118 : memref<8x1024xf32, #tpu.memory_space<vmem>>) offsets(%dma_start3A_1119 : memref<8xi32, #tpu.memory_space<vmem>>) semaphore(%dma_start3A_1124 : memref<!tpu.dma_semaphore, #tpu.memory_space<semaphore_mem>>)
      %add3A_1125 = arith.constant 6 : i32
      %add3A_1126 = arith.addi %mul3A_566, %add3A_1125 : i32
      %mul3A_1127 = arith.constant 8 : i32
      %mul3A_1128 = arith.muli %add3A_1126, %mul3A_1127 : i32
      %add3A_1129 = arith.addi %mul3A_32, %mul3A_1128 : i32
      %dma_wait3A_1130 = arith.constant 6 : i32
      %dma_wait3A_1131 = arith.constant 6 : i32
      %dma_wait3A_1132 = arith.constant 0 : i32
      %dma_wait3A_1133 = arith.constant 0 : i32
      %dma_wait3A_1134 = tpu.memref_slice %arg6[%dma_wait3A_1130, %dma_wait3A_1132, %dma_wait3A_1133] : memref<8x8x1024xf32, #tpu.memory_space<vmem>> -> memref<1x8x1024xf32, #tpu.memory_space<vmem>>
      %dma_wait3A_1135 = tpu.memref_squeeze %dma_wait3A_1134 : memref<1x8x1024xf32, #tpu.memory_space<vmem>> -> memref<8x1024xf32, #tpu.memory_space<vmem>>
      %dma_wait3A_1136 = arith.constant 0 : i32
      %dma_wait3A_1137 = tpu.memref_slice %arg4[%select_n3A, %add3A_1129, %dma_wait3A_1136] : memref<4x4096x1024xf32, #tpu.memory_space<hbm>> -> memref<1x8x1024xf32, #tpu.memory_space<hbm>>
      %dma_wait3A_1138 = tpu.memref_squeeze %dma_wait3A_1137 : memref<1x8x1024xf32, #tpu.memory_space<hbm>> -> memref<8x1024xf32, #tpu.memory_space<hbm>>
      %dma_wait3A_1139 = tpu.memref_slice %arg8[%dma_wait3A_1131] : memref<8x!tpu.dma_semaphore, #tpu.memory_space<semaphore_mem>> -> memref<1x!tpu.dma_semaphore, #tpu.memory_space<semaphore_mem>>
      %dma_wait3A_1140 = tpu.memref_squeeze %dma_wait3A_1139 : memref<1x!tpu.dma_semaphore, #tpu.memory_space<semaphore_mem>> -> memref<!tpu.dma_semaphore, #tpu.memory_space<semaphore_mem>>
      %dma_wait3A_1141 = arith.constant 0 : i32
      %dma_wait3A_1142 = tpu.memref_slice %arg4[%select_n3A, %add3A_1129, %dma_wait3A_1141] : memref<4x4096x1024xf32, #tpu.memory_space<hbm>> -> memref<1x8x1024xf32, #tpu.memory_space<hbm>>
      %dma_wait3A_1143 = tpu.memref_squeeze %dma_wait3A_1142 : memref<1x8x1024xf32, #tpu.memory_space<hbm>> -> memref<8x1024xf32, #tpu.memory_space<hbm>>
      %dma_wait3A_1144 = arith.constant 0 : i32
      %dma_wait3A_1145 = arith.constant 0 : i32
      %dma_wait3A_1146 = tpu.memref_slice %arg6[%dma_wait3A_1130, %dma_wait3A_1144, %dma_wait3A_1145] : memref<8x8x1024xf32, #tpu.memory_space<vmem>> -> memref<1x8x1024xf32, #tpu.memory_space<vmem>>
      %dma_wait3A_1147 = tpu.memref_squeeze %dma_wait3A_1146 : memref<1x8x1024xf32, #tpu.memory_space<vmem>> -> memref<8x1024xf32, #tpu.memory_space<vmem>>
      tpu.wait_dma2 semaphore(%dma_wait3A_1140 : memref<!tpu.dma_semaphore, #tpu.memory_space<semaphore_mem>>) src(%dma_wait3A_1147 : memref<8x1024xf32, #tpu.memory_space<vmem>>) dst(%dma_wait3A_1143 : memref<8x1024xf32, #tpu.memory_space<hbm>>)
      %add3A_1148 = arith.constant 8 : i32
      %add3A_1149 = arith.addi %mul3A_566, %add3A_1148 : i32
      %add3A_1150 = arith.constant 6 : i32
      %add3A_1151 = arith.addi %add3A_1149, %add3A_1150 : i32
      %mul3A_1152 = arith.constant 8 : i32
      %mul3A_1153 = arith.muli %add3A_1151, %mul3A_1152 : i32
      %dma_start3A_1154 = arith.constant 6 : i32
      %dma_start3A_1155 = arith.constant 6 : i32
      %dma_start3A_1156 = arith.constant 0 : i32
      %dma_start3A_1157 = arith.constant 0 : i32
      %dma_start3A_1158 = tpu.memref_slice %arg6[%dma_start3A_1154, %dma_start3A_1156, %dma_start3A_1157] : memref<8x8x1024xf32, #tpu.memory_space<vmem>> -> memref<1x8x1024xf32, #tpu.memory_space<vmem>>
      %dma_start3A_1159 = tpu.memref_squeeze %dma_start3A_1158 : memref<1x8x1024xf32, #tpu.memory_space<vmem>> -> memref<8x1024xf32, #tpu.memory_space<vmem>>
      %dma_start3A_1160 = tpu.memref_slice %arg5[%mul3A_1153] : memref<512xi32, #tpu.memory_space<vmem>> -> memref<8xi32, #tpu.memory_space<vmem>>
      %dma_start3A_1161 = arith.constant 0 : i32
      %dma_start3A_1162 = arith.constant 0 : i32
      %dma_start3A_1163 = tpu.memref_slice %arg3[%dma_start3A_1161, %dma_start3A_1162] : memref<100000x1024xf32, #tpu.memory_space<hbm>> -> memref<100000x1024xf32, #tpu.memory_space<hbm>>
      %dma_start3A_1164 = tpu.memref_slice %arg7[%dma_start3A_1155] : memref<8x!tpu.dma_semaphore, #tpu.memory_space<semaphore_mem>> -> memref<1x!tpu.dma_semaphore, #tpu.memory_space<semaphore_mem>>
      %dma_start3A_1165 = tpu.memref_squeeze %dma_start3A_1164 : memref<1x!tpu.dma_semaphore, #tpu.memory_space<semaphore_mem>> -> memref<!tpu.dma_semaphore, #tpu.memory_space<semaphore_mem>>
      tpu.enqueue_indirect_dma source(%dma_start3A_1163 : memref<100000x1024xf32, #tpu.memory_space<hbm>>) target(%dma_start3A_1159 : memref<8x1024xf32, #tpu.memory_space<vmem>>) offsets(%dma_start3A_1160 : memref<8xi32, #tpu.memory_space<vmem>>) semaphore(%dma_start3A_1165 : memref<!tpu.dma_semaphore, #tpu.memory_space<semaphore_mem>>)
      %add3A_1166 = arith.constant 7 : i32
      %add3A_1167 = arith.addi %mul3A_566, %add3A_1166 : i32
      %mul3A_1168 = arith.constant 8 : i32
      %mul3A_1169 = arith.muli %add3A_1167, %mul3A_1168 : i32
      %add3A_1170 = arith.addi %mul3A_32, %mul3A_1169 : i32
      %dma_wait3A_1171 = arith.constant 7 : i32
      %dma_wait3A_1172 = arith.constant 7 : i32
      %dma_wait3A_1173 = arith.constant 0 : i32
      %dma_wait3A_1174 = arith.constant 0 : i32
      %dma_wait3A_1175 = tpu.memref_slice %arg6[%dma_wait3A_1171, %dma_wait3A_1173, %dma_wait3A_1174] : memref<8x8x1024xf32, #tpu.memory_space<vmem>> -> memref<1x8x1024xf32, #tpu.memory_space<vmem>>
      %dma_wait3A_1176 = tpu.memref_squeeze %dma_wait3A_1175 : memref<1x8x1024xf32, #tpu.memory_space<vmem>> -> memref<8x1024xf32, #tpu.memory_space<vmem>>
      %dma_wait3A_1177 = arith.constant 0 : i32
      %dma_wait3A_1178 = tpu.memref_slice %arg4[%select_n3A, %add3A_1170, %dma_wait3A_1177] : memref<4x4096x1024xf32, #tpu.memory_space<hbm>> -> memref<1x8x1024xf32, #tpu.memory_space<hbm>>
      %dma_wait3A_1179 = tpu.memref_squeeze %dma_wait3A_1178 : memref<1x8x1024xf32, #tpu.memory_space<hbm>> -> memref<8x1024xf32, #tpu.memory_space<hbm>>
      %dma_wait3A_1180 = tpu.memref_slice %arg8[%dma_wait3A_1172] : memref<8x!tpu.dma_semaphore, #tpu.memory_space<semaphore_mem>> -> memref<1x!tpu.dma_semaphore, #tpu.memory_space<semaphore_mem>>
      %dma_wait3A_1181 = tpu.memref_squeeze %dma_wait3A_1180 : memref<1x!tpu.dma_semaphore, #tpu.memory_space<semaphore_mem>> -> memref<!tpu.dma_semaphore, #tpu.memory_space<semaphore_mem>>
      %dma_wait3A_1182 = arith.constant 0 : i32
      %dma_wait3A_1183 = tpu.memref_slice %arg4[%select_n3A, %add3A_1170, %dma_wait3A_1182] : memref<4x4096x1024xf32, #tpu.memory_space<hbm>> -> memref<1x8x1024xf32, #tpu.memory_space<hbm>>
      %dma_wait3A_1184 = tpu.memref_squeeze %dma_wait3A_1183 : memref<1x8x1024xf32, #tpu.memory_space<hbm>> -> memref<8x1024xf32, #tpu.memory_space<hbm>>
      %dma_wait3A_1185 = arith.constant 0 : i32
      %dma_wait3A_1186 = arith.constant 0 : i32
      %dma_wait3A_1187 = tpu.memref_slice %arg6[%dma_wait3A_1171, %dma_wait3A_1185, %dma_wait3A_1186] : memref<8x8x1024xf32, #tpu.memory_space<vmem>> -> memref<1x8x1024xf32, #tpu.memory_space<vmem>>
      %dma_wait3A_1188 = tpu.memref_squeeze %dma_wait3A_1187 : memref<1x8x1024xf32, #tpu.memory_space<vmem>> -> memref<8x1024xf32, #tpu.memory_space<vmem>>
      tpu.wait_dma2 semaphore(%dma_wait3A_1181 : memref<!tpu.dma_semaphore, #tpu.memory_space<semaphore_mem>>) src(%dma_wait3A_1188 : memref<8x1024xf32, #tpu.memory_space<vmem>>) dst(%dma_wait3A_1184 : memref<8x1024xf32, #tpu.memory_space<hbm>>)
      %add3A_1189 = arith.constant 8 : i32
      %add3A_1190 = arith.addi %mul3A_566, %add3A_1189 : i32
      %add3A_1191 = arith.constant 7 : i32
      %add3A_1192 = arith.addi %add3A_1190, %add3A_1191 : i32
      %mul3A_1193 = arith.constant 8 : i32
      %mul3A_1194 = arith.muli %add3A_1192, %mul3A_1193 : i32
      %dma_start3A_1195 = arith.constant 7 : i32
      %dma_start3A_1196 = arith.constant 7 : i32
      %dma_start3A_1197 = arith.constant 0 : i32
      %dma_start3A_1198 = arith.constant 0 : i32
      %dma_start3A_1199 = tpu.memref_slice %arg6[%dma_start3A_1195, %dma_start3A_1197, %dma_start3A_1198] : memref<8x8x1024xf32, #tpu.memory_space<vmem>> -> memref<1x8x1024xf32, #tpu.memory_space<vmem>>
      %dma_start3A_1200 = tpu.memref_squeeze %dma_start3A_1199 : memref<1x8x1024xf32, #tpu.memory_space<vmem>> -> memref<8x1024xf32, #tpu.memory_space<vmem>>
      %dma_start3A_1201 = tpu.memref_slice %arg5[%mul3A_1194] : memref<512xi32, #tpu.memory_space<vmem>> -> memref<8xi32, #tpu.memory_space<vmem>>
      %dma_start3A_1202 = arith.constant 0 : i32
      %dma_start3A_1203 = arith.constant 0 : i32
      %dma_start3A_1204 = tpu.memref_slice %arg3[%dma_start3A_1202, %dma_start3A_1203] : memref<100000x1024xf32, #tpu.memory_space<hbm>> -> memref<100000x1024xf32, #tpu.memory_space<hbm>>
      %dma_start3A_1205 = tpu.memref_slice %arg7[%dma_start3A_1196] : memref<8x!tpu.dma_semaphore, #tpu.memory_space<semaphore_mem>> -> memref<1x!tpu.dma_semaphore, #tpu.memory_space<semaphore_mem>>
      %dma_start3A_1206 = tpu.memref_squeeze %dma_start3A_1205 : memref<1x!tpu.dma_semaphore, #tpu.memory_space<semaphore_mem>> -> memref<!tpu.dma_semaphore, #tpu.memory_space<semaphore_mem>>
      tpu.enqueue_indirect_dma source(%dma_start3A_1204 : memref<100000x1024xf32, #tpu.memory_space<hbm>>) target(%dma_start3A_1200 : memref<8x1024xf32, #tpu.memory_space<vmem>>) offsets(%dma_start3A_1201 : memref<8xi32, #tpu.memory_space<vmem>>) semaphore(%dma_start3A_1206 : memref<!tpu.dma_semaphore, #tpu.memory_space<semaphore_mem>>)
    }
    %scan3A_140 = arith.constant 7 : i32
    %dma_wait3A = arith.constant 0 : i32
    %dma_wait3A_141 = arith.constant 0 : i32
    %dma_wait3A_142 = arith.constant 0 : i32
    %dma_wait3A_143 = arith.constant 0 : i32
    %dma_wait3A_144 = tpu.memref_slice %arg6[%dma_wait3A, %dma_wait3A_142, %dma_wait3A_143] : memref<8x8x1024xf32, #tpu.memory_space<vmem>> -> memref<1x8x1024xf32, #tpu.memory_space<vmem>>
    %dma_wait3A_145 = tpu.memref_squeeze %dma_wait3A_144 : memref<1x8x1024xf32, #tpu.memory_space<vmem>> -> memref<8x1024xf32, #tpu.memory_space<vmem>>
    %dma_wait3A_146 = arith.constant 448 : i32
    %dma_wait3A_147 = tpu.memref_slice %arg5[%dma_wait3A_146] : memref<512xi32, #tpu.memory_space<vmem>> -> memref<8xi32, #tpu.memory_space<vmem>>
    %dma_wait3A_148 = arith.constant 0 : i32
    %dma_wait3A_149 = arith.constant 0 : i32
    %dma_wait3A_150 = tpu.memref_slice %arg3[%dma_wait3A_148, %dma_wait3A_149] : memref<100000x1024xf32, #tpu.memory_space<hbm>> -> memref<100000x1024xf32, #tpu.memory_space<hbm>>
    %dma_wait3A_151 = tpu.memref_slice %arg7[%dma_wait3A_141] : memref<8x!tpu.dma_semaphore, #tpu.memory_space<semaphore_mem>> -> memref<1x!tpu.dma_semaphore, #tpu.memory_space<semaphore_mem>>
    %dma_wait3A_152 = tpu.memref_squeeze %dma_wait3A_151 : memref<1x!tpu.dma_semaphore, #tpu.memory_space<semaphore_mem>> -> memref<!tpu.dma_semaphore, #tpu.memory_space<semaphore_mem>>
    tpu.wait_indirect_dma semaphore(%dma_wait3A_152 : memref<!tpu.dma_semaphore, #tpu.memory_space<semaphore_mem>>) src(%dma_wait3A_150 : memref<100000x1024xf32, #tpu.memory_space<hbm>>) dst(%dma_wait3A_145 : memref<8x1024xf32, #tpu.memory_space<vmem>>)
    %add3A_153 = arith.constant 448 : i32
    %add3A_154 = arith.addi %mul3A_32, %add3A_153 : i32
    %dma_start3A_155 = arith.constant 0 : i32
    %dma_start3A_156 = arith.constant 0 : i32
    %dma_start3A_157 = arith.constant 0 : i32
    %dma_start3A_158 = arith.constant 0 : i32
    %dma_start3A_159 = tpu.memref_slice %arg6[%dma_start3A_155, %dma_start3A_157, %dma_start3A_158] : memref<8x8x1024xf32, #tpu.memory_space<vmem>> -> memref<1x8x1024xf32, #tpu.memory_space<vmem>>
    %dma_start3A_160 = tpu.memref_squeeze %dma_start3A_159 : memref<1x8x1024xf32, #tpu.memory_space<vmem>> -> memref<8x1024xf32, #tpu.memory_space<vmem>>
    %dma_start3A_161 = arith.constant 0 : i32
    %dma_start3A_162 = tpu.memref_slice %arg4[%select_n3A, %add3A_154, %dma_start3A_161] : memref<4x4096x1024xf32, #tpu.memory_space<hbm>> -> memref<1x8x1024xf32, #tpu.memory_space<hbm>>
    %dma_start3A_163 = tpu.memref_squeeze %dma_start3A_162 : memref<1x8x1024xf32, #tpu.memory_space<hbm>> -> memref<8x1024xf32, #tpu.memory_space<hbm>>
    %dma_start3A_164 = tpu.memref_slice %arg8[%dma_start3A_156] : memref<8x!tpu.dma_semaphore, #tpu.memory_space<semaphore_mem>> -> memref<1x!tpu.dma_semaphore, #tpu.memory_space<semaphore_mem>>
    %dma_start3A_165 = tpu.memref_squeeze %dma_start3A_164 : memref<1x!tpu.dma_semaphore, #tpu.memory_space<semaphore_mem>> -> memref<!tpu.dma_semaphore, #tpu.memory_space<semaphore_mem>>
    %dma_start3A_166 = arith.constant 0 : i32
    %dma_start3A_167 = tpu.memref_slice %arg4[%select_n3A, %add3A_154, %dma_start3A_166] : memref<4x4096x1024xf32, #tpu.memory_space<hbm>> -> memref<1x8x1024xf32, #tpu.memory_space<hbm>>
    %dma_start3A_168 = tpu.memref_squeeze %dma_start3A_167 : memref<1x8x1024xf32, #tpu.memory_space<hbm>> -> memref<8x1024xf32, #tpu.memory_space<hbm>>
    %dma_start3A_169 = arith.constant 0 : i32
    %dma_start3A_170 = arith.constant 0 : i32
    %dma_start3A_171 = tpu.memref_slice %arg6[%dma_start3A_155, %dma_start3A_169, %dma_start3A_170] : memref<8x8x1024xf32, #tpu.memory_space<vmem>> -> memref<1x8x1024xf32, #tpu.memory_space<vmem>>
    %dma_start3A_172 = tpu.memref_squeeze %dma_start3A_171 : memref<1x8x1024xf32, #tpu.memory_space<vmem>> -> memref<8x1024xf32, #tpu.memory_space<vmem>>
    tpu.enqueue_dma source(%dma_start3A_172 : memref<8x1024xf32, #tpu.memory_space<vmem>>) target(%dma_start3A_168 : memref<8x1024xf32, #tpu.memory_space<hbm>>) target_semaphore(%dma_start3A_165 : memref<!tpu.dma_semaphore, #tpu.memory_space<semaphore_mem>>)
    %dma_wait3A_173 = arith.constant 1 : i32
    %dma_wait3A_174 = arith.constant 1 : i32
    %dma_wait3A_175 = arith.constant 0 : i32
    %dma_wait3A_176 = arith.constant 0 : i32
    %dma_wait3A_177 = tpu.memref_slice %arg6[%dma_wait3A_173, %dma_wait3A_175, %dma_wait3A_176] : memref<8x8x1024xf32, #tpu.memory_space<vmem>> -> memref<1x8x1024xf32, #tpu.memory_space<vmem>>
    %dma_wait3A_178 = tpu.memref_squeeze %dma_wait3A_177 : memref<1x8x1024xf32, #tpu.memory_space<vmem>> -> memref<8x1024xf32, #tpu.memory_space<vmem>>
    %dma_wait3A_179 = arith.constant 456 : i32
    %dma_wait3A_180 = tpu.memref_slice %arg5[%dma_wait3A_179] : memref<512xi32, #tpu.memory_space<vmem>> -> memref<8xi32, #tpu.memory_space<vmem>>
    %dma_wait3A_181 = arith.constant 0 : i32
    %dma_wait3A_182 = arith.constant 0 : i32
    %dma_wait3A_183 = tpu.memref_slice %arg3[%dma_wait3A_181, %dma_wait3A_182] : memref<100000x1024xf32, #tpu.memory_space<hbm>> -> memref<100000x1024xf32, #tpu.memory_space<hbm>>
    %dma_wait3A_184 = tpu.memref_slice %arg7[%dma_wait3A_174] : memref<8x!tpu.dma_semaphore, #tpu.memory_space<semaphore_mem>> -> memref<1x!tpu.dma_semaphore, #tpu.memory_space<semaphore_mem>>
    %dma_wait3A_185 = tpu.memref_squeeze %dma_wait3A_184 : memref<1x!tpu.dma_semaphore, #tpu.memory_space<semaphore_mem>> -> memref<!tpu.dma_semaphore, #tpu.memory_space<semaphore_mem>>
    tpu.wait_indirect_dma semaphore(%dma_wait3A_185 : memref<!tpu.dma_semaphore, #tpu.memory_space<semaphore_mem>>) src(%dma_wait3A_183 : memref<100000x1024xf32, #tpu.memory_space<hbm>>) dst(%dma_wait3A_178 : memref<8x1024xf32, #tpu.memory_space<vmem>>)
    %add3A_186 = arith.constant 456 : i32
    %add3A_187 = arith.addi %mul3A_32, %add3A_186 : i32
    %dma_start3A_188 = arith.constant 1 : i32
    %dma_start3A_189 = arith.constant 1 : i32
    %dma_start3A_190 = arith.constant 0 : i32
    %dma_start3A_191 = arith.constant 0 : i32
    %dma_start3A_192 = tpu.memref_slice %arg6[%dma_start3A_188, %dma_start3A_190, %dma_start3A_191] : memref<8x8x1024xf32, #tpu.memory_space<vmem>> -> memref<1x8x1024xf32, #tpu.memory_space<vmem>>
    %dma_start3A_193 = tpu.memref_squeeze %dma_start3A_192 : memref<1x8x1024xf32, #tpu.memory_space<vmem>> -> memref<8x1024xf32, #tpu.memory_space<vmem>>
    %dma_start3A_194 = arith.constant 0 : i32
    %dma_start3A_195 = tpu.memref_slice %arg4[%select_n3A, %add3A_187, %dma_start3A_194] : memref<4x4096x1024xf32, #tpu.memory_space<hbm>> -> memref<1x8x1024xf32, #tpu.memory_space<hbm>>
    %dma_start3A_196 = tpu.memref_squeeze %dma_start3A_195 : memref<1x8x1024xf32, #tpu.memory_space<hbm>> -> memref<8x1024xf32, #tpu.memory_space<hbm>>
    %dma_start3A_197 = tpu.memref_slice %arg8[%dma_start3A_189] : memref<8x!tpu.dma_semaphore, #tpu.memory_space<semaphore_mem>> -> memref<1x!tpu.dma_semaphore, #tpu.memory_space<semaphore_mem>>
    %dma_start3A_198 = tpu.memref_squeeze %dma_start3A_197 : memref<1x!tpu.dma_semaphore, #tpu.memory_space<semaphore_mem>> -> memref<!tpu.dma_semaphore, #tpu.memory_space<semaphore_mem>>
    %dma_start3A_199 = arith.constant 0 : i32
    %dma_start3A_200 = tpu.memref_slice %arg4[%select_n3A, %add3A_187, %dma_start3A_199] : memref<4x4096x1024xf32, #tpu.memory_space<hbm>> -> memref<1x8x1024xf32, #tpu.memory_space<hbm>>
    %dma_start3A_201 = tpu.memref_squeeze %dma_start3A_200 : memref<1x8x1024xf32, #tpu.memory_space<hbm>> -> memref<8x1024xf32, #tpu.memory_space<hbm>>
    %dma_start3A_202 = arith.constant 0 : i32
    %dma_start3A_203 = arith.constant 0 : i32
    %dma_start3A_204 = tpu.memref_slice %arg6[%dma_start3A_188, %dma_start3A_202, %dma_start3A_203] : memref<8x8x1024xf32, #tpu.memory_space<vmem>> -> memref<1x8x1024xf32, #tpu.memory_space<vmem>>
    %dma_start3A_205 = tpu.memref_squeeze %dma_start3A_204 : memref<1x8x1024xf32, #tpu.memory_space<vmem>> -> memref<8x1024xf32, #tpu.memory_space<vmem>>
    tpu.enqueue_dma source(%dma_start3A_205 : memref<8x1024xf32, #tpu.memory_space<vmem>>) target(%dma_start3A_201 : memref<8x1024xf32, #tpu.memory_space<hbm>>) target_semaphore(%dma_start3A_198 : memref<!tpu.dma_semaphore, #tpu.memory_space<semaphore_mem>>)
    %dma_wait3A_206 = arith.constant 2 : i32
    %dma_wait3A_207 = arith.constant 2 : i32
    %dma_wait3A_208 = arith.constant 0 : i32
    %dma_wait3A_209 = arith.constant 0 : i32
    %dma_wait3A_210 = tpu.memref_slice %arg6[%dma_wait3A_206, %dma_wait3A_208, %dma_wait3A_209] : memref<8x8x1024xf32, #tpu.memory_space<vmem>> -> memref<1x8x1024xf32, #tpu.memory_space<vmem>>
    %dma_wait3A_211 = tpu.memref_squeeze %dma_wait3A_210 : memref<1x8x1024xf32, #tpu.memory_space<vmem>> -> memref<8x1024xf32, #tpu.memory_space<vmem>>
    %dma_wait3A_212 = arith.constant 464 : i32
    %dma_wait3A_213 = tpu.memref_slice %arg5[%dma_wait3A_212] : memref<512xi32, #tpu.memory_space<vmem>> -> memref<8xi32, #tpu.memory_space<vmem>>
    %dma_wait3A_214 = arith.constant 0 : i32
    %dma_wait3A_215 = arith.constant 0 : i32
    %dma_wait3A_216 = tpu.memref_slice %arg3[%dma_wait3A_214, %dma_wait3A_215] : memref<100000x1024xf32, #tpu.memory_space<hbm>> -> memref<100000x1024xf32, #tpu.memory_space<hbm>>
    %dma_wait3A_217 = tpu.memref_slice %arg7[%dma_wait3A_207] : memref<8x!tpu.dma_semaphore, #tpu.memory_space<semaphore_mem>> -> memref<1x!tpu.dma_semaphore, #tpu.memory_space<semaphore_mem>>
    %dma_wait3A_218 = tpu.memref_squeeze %dma_wait3A_217 : memref<1x!tpu.dma_semaphore, #tpu.memory_space<semaphore_mem>> -> memref<!tpu.dma_semaphore, #tpu.memory_space<semaphore_mem>>
    tpu.wait_indirect_dma semaphore(%dma_wait3A_218 : memref<!tpu.dma_semaphore, #tpu.memory_space<semaphore_mem>>) src(%dma_wait3A_216 : memref<100000x1024xf32, #tpu.memory_space<hbm>>) dst(%dma_wait3A_211 : memref<8x1024xf32, #tpu.memory_space<vmem>>)
    %add3A_219 = arith.constant 464 : i32
    %add3A_220 = arith.addi %mul3A_32, %add3A_219 : i32
    %dma_start3A_221 = arith.constant 2 : i32
    %dma_start3A_222 = arith.constant 2 : i32
    %dma_start3A_223 = arith.constant 0 : i32
    %dma_start3A_224 = arith.constant 0 : i32
    %dma_start3A_225 = tpu.memref_slice %arg6[%dma_start3A_221, %dma_start3A_223, %dma_start3A_224] : memref<8x8x1024xf32, #tpu.memory_space<vmem>> -> memref<1x8x1024xf32, #tpu.memory_space<vmem>>
    %dma_start3A_226 = tpu.memref_squeeze %dma_start3A_225 : memref<1x8x1024xf32, #tpu.memory_space<vmem>> -> memref<8x1024xf32, #tpu.memory_space<vmem>>
    %dma_start3A_227 = arith.constant 0 : i32
    %dma_start3A_228 = tpu.memref_slice %arg4[%select_n3A, %add3A_220, %dma_start3A_227] : memref<4x4096x1024xf32, #tpu.memory_space<hbm>> -> memref<1x8x1024xf32, #tpu.memory_space<hbm>>
    %dma_start3A_229 = tpu.memref_squeeze %dma_start3A_228 : memref<1x8x1024xf32, #tpu.memory_space<hbm>> -> memref<8x1024xf32, #tpu.memory_space<hbm>>
    %dma_start3A_230 = tpu.memref_slice %arg8[%dma_start3A_222] : memref<8x!tpu.dma_semaphore, #tpu.memory_space<semaphore_mem>> -> memref<1x!tpu.dma_semaphore, #tpu.memory_space<semaphore_mem>>
    %dma_start3A_231 = tpu.memref_squeeze %dma_start3A_230 : memref<1x!tpu.dma_semaphore, #tpu.memory_space<semaphore_mem>> -> memref<!tpu.dma_semaphore, #tpu.memory_space<semaphore_mem>>
    %dma_start3A_232 = arith.constant 0 : i32
    %dma_start3A_233 = tpu.memref_slice %arg4[%select_n3A, %add3A_220, %dma_start3A_232] : memref<4x4096x1024xf32, #tpu.memory_space<hbm>> -> memref<1x8x1024xf32, #tpu.memory_space<hbm>>
    %dma_start3A_234 = tpu.memref_squeeze %dma_start3A_233 : memref<1x8x1024xf32, #tpu.memory_space<hbm>> -> memref<8x1024xf32, #tpu.memory_space<hbm>>
    %dma_start3A_235 = arith.constant 0 : i32
    %dma_start3A_236 = arith.constant 0 : i32
    %dma_start3A_237 = tpu.memref_slice %arg6[%dma_start3A_221, %dma_start3A_235, %dma_start3A_236] : memref<8x8x1024xf32, #tpu.memory_space<vmem>> -> memref<1x8x1024xf32, #tpu.memory_space<vmem>>
    %dma_start3A_238 = tpu.memref_squeeze %dma_start3A_237 : memref<1x8x1024xf32, #tpu.memory_space<vmem>> -> memref<8x1024xf32, #tpu.memory_space<vmem>>
    tpu.enqueue_dma source(%dma_start3A_238 : memref<8x1024xf32, #tpu.memory_space<vmem>>) target(%dma_start3A_234 : memref<8x1024xf32, #tpu.memory_space<hbm>>) target_semaphore(%dma_start3A_231 : memref<!tpu.dma_semaphore, #tpu.memory_space<semaphore_mem>>)
    %dma_wait3A_239 = arith.constant 3 : i32
    %dma_wait3A_240 = arith.constant 3 : i32
    %dma_wait3A_241 = arith.constant 0 : i32
    %dma_wait3A_242 = arith.constant 0 : i32
    %dma_wait3A_243 = tpu.memref_slice %arg6[%dma_wait3A_239, %dma_wait3A_241, %dma_wait3A_242] : memref<8x8x1024xf32, #tpu.memory_space<vmem>> -> memref<1x8x1024xf32, #tpu.memory_space<vmem>>
    %dma_wait3A_244 = tpu.memref_squeeze %dma_wait3A_243 : memref<1x8x1024xf32, #tpu.memory_space<vmem>> -> memref<8x1024xf32, #tpu.memory_space<vmem>>
    %dma_wait3A_245 = arith.constant 472 : i32
    %dma_wait3A_246 = tpu.memref_slice %arg5[%dma_wait3A_245] : memref<512xi32, #tpu.memory_space<vmem>> -> memref<8xi32, #tpu.memory_space<vmem>>
    %dma_wait3A_247 = arith.constant 0 : i32
    %dma_wait3A_248 = arith.constant 0 : i32
    %dma_wait3A_249 = tpu.memref_slice %arg3[%dma_wait3A_247, %dma_wait3A_248] : memref<100000x1024xf32, #tpu.memory_space<hbm>> -> memref<100000x1024xf32, #tpu.memory_space<hbm>>
    %dma_wait3A_250 = tpu.memref_slice %arg7[%dma_wait3A_240] : memref<8x!tpu.dma_semaphore, #tpu.memory_space<semaphore_mem>> -> memref<1x!tpu.dma_semaphore, #tpu.memory_space<semaphore_mem>>
    %dma_wait3A_251 = tpu.memref_squeeze %dma_wait3A_250 : memref<1x!tpu.dma_semaphore, #tpu.memory_space<semaphore_mem>> -> memref<!tpu.dma_semaphore, #tpu.memory_space<semaphore_mem>>
    tpu.wait_indirect_dma semaphore(%dma_wait3A_251 : memref<!tpu.dma_semaphore, #tpu.memory_space<semaphore_mem>>) src(%dma_wait3A_249 : memref<100000x1024xf32, #tpu.memory_space<hbm>>) dst(%dma_wait3A_244 : memref<8x1024xf32, #tpu.memory_space<vmem>>)
    %add3A_252 = arith.constant 472 : i32
    %add3A_253 = arith.addi %mul3A_32, %add3A_252 : i32
    %dma_start3A_254 = arith.constant 3 : i32
    %dma_start3A_255 = arith.constant 3 : i32
    %dma_start3A_256 = arith.constant 0 : i32
    %dma_start3A_257 = arith.constant 0 : i32
    %dma_start3A_258 = tpu.memref_slice %arg6[%dma_start3A_254, %dma_start3A_256, %dma_start3A_257] : memref<8x8x1024xf32, #tpu.memory_space<vmem>> -> memref<1x8x1024xf32, #tpu.memory_space<vmem>>
    %dma_start3A_259 = tpu.memref_squeeze %dma_start3A_258 : memref<1x8x1024xf32, #tpu.memory_space<vmem>> -> memref<8x1024xf32, #tpu.memory_space<vmem>>
    %dma_start3A_260 = arith.constant 0 : i32
    %dma_start3A_261 = tpu.memref_slice %arg4[%select_n3A, %add3A_253, %dma_start3A_260] : memref<4x4096x1024xf32, #tpu.memory_space<hbm>> -> memref<1x8x1024xf32, #tpu.memory_space<hbm>>
    %dma_start3A_262 = tpu.memref_squeeze %dma_start3A_261 : memref<1x8x1024xf32, #tpu.memory_space<hbm>> -> memref<8x1024xf32, #tpu.memory_space<hbm>>
    %dma_start3A_263 = tpu.memref_slice %arg8[%dma_start3A_255] : memref<8x!tpu.dma_semaphore, #tpu.memory_space<semaphore_mem>> -> memref<1x!tpu.dma_semaphore, #tpu.memory_space<semaphore_mem>>
    %dma_start3A_264 = tpu.memref_squeeze %dma_start3A_263 : memref<1x!tpu.dma_semaphore, #tpu.memory_space<semaphore_mem>> -> memref<!tpu.dma_semaphore, #tpu.memory_space<semaphore_mem>>
    %dma_start3A_265 = arith.constant 0 : i32
    %dma_start3A_266 = tpu.memref_slice %arg4[%select_n3A, %add3A_253, %dma_start3A_265] : memref<4x4096x1024xf32, #tpu.memory_space<hbm>> -> memref<1x8x1024xf32, #tpu.memory_space<hbm>>
    %dma_start3A_267 = tpu.memref_squeeze %dma_start3A_266 : memref<1x8x1024xf32, #tpu.memory_space<hbm>> -> memref<8x1024xf32, #tpu.memory_space<hbm>>
    %dma_start3A_268 = arith.constant 0 : i32
    %dma_start3A_269 = arith.constant 0 : i32
    %dma_start3A_270 = tpu.memref_slice %arg6[%dma_start3A_254, %dma_start3A_268, %dma_start3A_269] : memref<8x8x1024xf32, #tpu.memory_space<vmem>> -> memref<1x8x1024xf32, #tpu.memory_space<vmem>>
    %dma_start3A_271 = tpu.memref_squeeze %dma_start3A_270 : memref<1x8x1024xf32, #tpu.memory_space<vmem>> -> memref<8x1024xf32, #tpu.memory_space<vmem>>
    tpu.enqueue_dma source(%dma_start3A_271 : memref<8x1024xf32, #tpu.memory_space<vmem>>) target(%dma_start3A_267 : memref<8x1024xf32, #tpu.memory_space<hbm>>) target_semaphore(%dma_start3A_264 : memref<!tpu.dma_semaphore, #tpu.memory_space<semaphore_mem>>)
    %dma_wait3A_272 = arith.constant 4 : i32
    %dma_wait3A_273 = arith.constant 4 : i32
    %dma_wait3A_274 = arith.constant 0 : i32
    %dma_wait3A_275 = arith.constant 0 : i32
    %dma_wait3A_276 = tpu.memref_slice %arg6[%dma_wait3A_272, %dma_wait3A_274, %dma_wait3A_275] : memref<8x8x1024xf32, #tpu.memory_space<vmem>> -> memref<1x8x1024xf32, #tpu.memory_space<vmem>>
    %dma_wait3A_277 = tpu.memref_squeeze %dma_wait3A_276 : memref<1x8x1024xf32, #tpu.memory_space<vmem>> -> memref<8x1024xf32, #tpu.memory_space<vmem>>
    %dma_wait3A_278 = arith.constant 480 : i32
    %dma_wait3A_279 = tpu.memref_slice %arg5[%dma_wait3A_278] : memref<512xi32, #tpu.memory_space<vmem>> -> memref<8xi32, #tpu.memory_space<vmem>>
    %dma_wait3A_280 = arith.constant 0 : i32
    %dma_wait3A_281 = arith.constant 0 : i32
    %dma_wait3A_282 = tpu.memref_slice %arg3[%dma_wait3A_280, %dma_wait3A_281] : memref<100000x1024xf32, #tpu.memory_space<hbm>> -> memref<100000x1024xf32, #tpu.memory_space<hbm>>
    %dma_wait3A_283 = tpu.memref_slice %arg7[%dma_wait3A_273] : memref<8x!tpu.dma_semaphore, #tpu.memory_space<semaphore_mem>> -> memref<1x!tpu.dma_semaphore, #tpu.memory_space<semaphore_mem>>
    %dma_wait3A_284 = tpu.memref_squeeze %dma_wait3A_283 : memref<1x!tpu.dma_semaphore, #tpu.memory_space<semaphore_mem>> -> memref<!tpu.dma_semaphore, #tpu.memory_space<semaphore_mem>>
    tpu.wait_indirect_dma semaphore(%dma_wait3A_284 : memref<!tpu.dma_semaphore, #tpu.memory_space<semaphore_mem>>) src(%dma_wait3A_282 : memref<100000x1024xf32, #tpu.memory_space<hbm>>) dst(%dma_wait3A_277 : memref<8x1024xf32, #tpu.memory_space<vmem>>)
    %add3A_285 = arith.constant 480 : i32
    %add3A_286 = arith.addi %mul3A_32, %add3A_285 : i32
    %dma_start3A_287 = arith.constant 4 : i32
    %dma_start3A_288 = arith.constant 4 : i32
    %dma_start3A_289 = arith.constant 0 : i32
    %dma_start3A_290 = arith.constant 0 : i32
    %dma_start3A_291 = tpu.memref_slice %arg6[%dma_start3A_287, %dma_start3A_289, %dma_start3A_290] : memref<8x8x1024xf32, #tpu.memory_space<vmem>> -> memref<1x8x1024xf32, #tpu.memory_space<vmem>>
    %dma_start3A_292 = tpu.memref_squeeze %dma_start3A_291 : memref<1x8x1024xf32, #tpu.memory_space<vmem>> -> memref<8x1024xf32, #tpu.memory_space<vmem>>
    %dma_start3A_293 = arith.constant 0 : i32
    %dma_start3A_294 = tpu.memref_slice %arg4[%select_n3A, %add3A_286, %dma_start3A_293] : memref<4x4096x1024xf32, #tpu.memory_space<hbm>> -> memref<1x8x1024xf32, #tpu.memory_space<hbm>>
    %dma_start3A_295 = tpu.memref_squeeze %dma_start3A_294 : memref<1x8x1024xf32, #tpu.memory_space<hbm>> -> memref<8x1024xf32, #tpu.memory_space<hbm>>
    %dma_start3A_296 = tpu.memref_slice %arg8[%dma_start3A_288] : memref<8x!tpu.dma_semaphore, #tpu.memory_space<semaphore_mem>> -> memref<1x!tpu.dma_semaphore, #tpu.memory_space<semaphore_mem>>
    %dma_start3A_297 = tpu.memref_squeeze %dma_start3A_296 : memref<1x!tpu.dma_semaphore, #tpu.memory_space<semaphore_mem>> -> memref<!tpu.dma_semaphore, #tpu.memory_space<semaphore_mem>>
    %dma_start3A_298 = arith.constant 0 : i32
    %dma_start3A_299 = tpu.memref_slice %arg4[%select_n3A, %add3A_286, %dma_start3A_298] : memref<4x4096x1024xf32, #tpu.memory_space<hbm>> -> memref<1x8x1024xf32, #tpu.memory_space<hbm>>
    %dma_start3A_300 = tpu.memref_squeeze %dma_start3A_299 : memref<1x8x1024xf32, #tpu.memory_space<hbm>> -> memref<8x1024xf32, #tpu.memory_space<hbm>>
    %dma_start3A_301 = arith.constant 0 : i32
    %dma_start3A_302 = arith.constant 0 : i32
    %dma_start3A_303 = tpu.memref_slice %arg6[%dma_start3A_287, %dma_start3A_301, %dma_start3A_302] : memref<8x8x1024xf32, #tpu.memory_space<vmem>> -> memref<1x8x1024xf32, #tpu.memory_space<vmem>>
    %dma_start3A_304 = tpu.memref_squeeze %dma_start3A_303 : memref<1x8x1024xf32, #tpu.memory_space<vmem>> -> memref<8x1024xf32, #tpu.memory_space<vmem>>
    tpu.enqueue_dma source(%dma_start3A_304 : memref<8x1024xf32, #tpu.memory_space<vmem>>) target(%dma_start3A_300 : memref<8x1024xf32, #tpu.memory_space<hbm>>) target_semaphore(%dma_start3A_297 : memref<!tpu.dma_semaphore, #tpu.memory_space<semaphore_mem>>)
    %dma_wait3A_305 = arith.constant 5 : i32
    %dma_wait3A_306 = arith.constant 5 : i32
    %dma_wait3A_307 = arith.constant 0 : i32
    %dma_wait3A_308 = arith.constant 0 : i32
    %dma_wait3A_309 = tpu.memref_slice %arg6[%dma_wait3A_305, %dma_wait3A_307, %dma_wait3A_308] : memref<8x8x1024xf32, #tpu.memory_space<vmem>> -> memref<1x8x1024xf32, #tpu.memory_space<vmem>>
    %dma_wait3A_310 = tpu.memref_squeeze %dma_wait3A_309 : memref<1x8x1024xf32, #tpu.memory_space<vmem>> -> memref<8x1024xf32, #tpu.memory_space<vmem>>
    %dma_wait3A_311 = arith.constant 488 : i32
    %dma_wait3A_312 = tpu.memref_slice %arg5[%dma_wait3A_311] : memref<512xi32, #tpu.memory_space<vmem>> -> memref<8xi32, #tpu.memory_space<vmem>>
    %dma_wait3A_313 = arith.constant 0 : i32
    %dma_wait3A_314 = arith.constant 0 : i32
    %dma_wait3A_315 = tpu.memref_slice %arg3[%dma_wait3A_313, %dma_wait3A_314] : memref<100000x1024xf32, #tpu.memory_space<hbm>> -> memref<100000x1024xf32, #tpu.memory_space<hbm>>
    %dma_wait3A_316 = tpu.memref_slice %arg7[%dma_wait3A_306] : memref<8x!tpu.dma_semaphore, #tpu.memory_space<semaphore_mem>> -> memref<1x!tpu.dma_semaphore, #tpu.memory_space<semaphore_mem>>
    %dma_wait3A_317 = tpu.memref_squeeze %dma_wait3A_316 : memref<1x!tpu.dma_semaphore, #tpu.memory_space<semaphore_mem>> -> memref<!tpu.dma_semaphore, #tpu.memory_space<semaphore_mem>>
    tpu.wait_indirect_dma semaphore(%dma_wait3A_317 : memref<!tpu.dma_semaphore, #tpu.memory_space<semaphore_mem>>) src(%dma_wait3A_315 : memref<100000x1024xf32, #tpu.memory_space<hbm>>) dst(%dma_wait3A_310 : memref<8x1024xf32, #tpu.memory_space<vmem>>)
    %add3A_318 = arith.constant 488 : i32
    %add3A_319 = arith.addi %mul3A_32, %add3A_318 : i32
    %dma_start3A_320 = arith.constant 5 : i32
    %dma_start3A_321 = arith.constant 5 : i32
    %dma_start3A_322 = arith.constant 0 : i32
    %dma_start3A_323 = arith.constant 0 : i32
    %dma_start3A_324 = tpu.memref_slice %arg6[%dma_start3A_320, %dma_start3A_322, %dma_start3A_323] : memref<8x8x1024xf32, #tpu.memory_space<vmem>> -> memref<1x8x1024xf32, #tpu.memory_space<vmem>>
    %dma_start3A_325 = tpu.memref_squeeze %dma_start3A_324 : memref<1x8x1024xf32, #tpu.memory_space<vmem>> -> memref<8x1024xf32, #tpu.memory_space<vmem>>
    %dma_start3A_326 = arith.constant 0 : i32
    %dma_start3A_327 = tpu.memref_slice %arg4[%select_n3A, %add3A_319, %dma_start3A_326] : memref<4x4096x1024xf32, #tpu.memory_space<hbm>> -> memref<1x8x1024xf32, #tpu.memory_space<hbm>>
    %dma_start3A_328 = tpu.memref_squeeze %dma_start3A_327 : memref<1x8x1024xf32, #tpu.memory_space<hbm>> -> memref<8x1024xf32, #tpu.memory_space<hbm>>
    %dma_start3A_329 = tpu.memref_slice %arg8[%dma_start3A_321] : memref<8x!tpu.dma_semaphore, #tpu.memory_space<semaphore_mem>> -> memref<1x!tpu.dma_semaphore, #tpu.memory_space<semaphore_mem>>
    %dma_start3A_330 = tpu.memref_squeeze %dma_start3A_329 : memref<1x!tpu.dma_semaphore, #tpu.memory_space<semaphore_mem>> -> memref<!tpu.dma_semaphore, #tpu.memory_space<semaphore_mem>>
    %dma_start3A_331 = arith.constant 0 : i32
    %dma_start3A_332 = tpu.memref_slice %arg4[%select_n3A, %add3A_319, %dma_start3A_331] : memref<4x4096x1024xf32, #tpu.memory_space<hbm>> -> memref<1x8x1024xf32, #tpu.memory_space<hbm>>
    %dma_start3A_333 = tpu.memref_squeeze %dma_start3A_332 : memref<1x8x1024xf32, #tpu.memory_space<hbm>> -> memref<8x1024xf32, #tpu.memory_space<hbm>>
    %dma_start3A_334 = arith.constant 0 : i32
    %dma_start3A_335 = arith.constant 0 : i32
    %dma_start3A_336 = tpu.memref_slice %arg6[%dma_start3A_320, %dma_start3A_334, %dma_start3A_335] : memref<8x8x1024xf32, #tpu.memory_space<vmem>> -> memref<1x8x1024xf32, #tpu.memory_space<vmem>>
    %dma_start3A_337 = tpu.memref_squeeze %dma_start3A_336 : memref<1x8x1024xf32, #tpu.memory_space<vmem>> -> memref<8x1024xf32, #tpu.memory_space<vmem>>
    tpu.enqueue_dma source(%dma_start3A_337 : memref<8x1024xf32, #tpu.memory_space<vmem>>) target(%dma_start3A_333 : memref<8x1024xf32, #tpu.memory_space<hbm>>) target_semaphore(%dma_start3A_330 : memref<!tpu.dma_semaphore, #tpu.memory_space<semaphore_mem>>)
    %dma_wait3A_338 = arith.constant 6 : i32
    %dma_wait3A_339 = arith.constant 6 : i32
    %dma_wait3A_340 = arith.constant 0 : i32
    %dma_wait3A_341 = arith.constant 0 : i32
    %dma_wait3A_342 = tpu.memref_slice %arg6[%dma_wait3A_338, %dma_wait3A_340, %dma_wait3A_341] : memref<8x8x1024xf32, #tpu.memory_space<vmem>> -> memref<1x8x1024xf32, #tpu.memory_space<vmem>>
    %dma_wait3A_343 = tpu.memref_squeeze %dma_wait3A_342 : memref<1x8x1024xf32, #tpu.memory_space<vmem>> -> memref<8x1024xf32, #tpu.memory_space<vmem>>
    %dma_wait3A_344 = arith.constant 496 : i32
    %dma_wait3A_345 = tpu.memref_slice %arg5[%dma_wait3A_344] : memref<512xi32, #tpu.memory_space<vmem>> -> memref<8xi32, #tpu.memory_space<vmem>>
    %dma_wait3A_346 = arith.constant 0 : i32
    %dma_wait3A_347 = arith.constant 0 : i32
    %dma_wait3A_348 = tpu.memref_slice %arg3[%dma_wait3A_346, %dma_wait3A_347] : memref<100000x1024xf32, #tpu.memory_space<hbm>> -> memref<100000x1024xf32, #tpu.memory_space<hbm>>
    %dma_wait3A_349 = tpu.memref_slice %arg7[%dma_wait3A_339] : memref<8x!tpu.dma_semaphore, #tpu.memory_space<semaphore_mem>> -> memref<1x!tpu.dma_semaphore, #tpu.memory_space<semaphore_mem>>
    %dma_wait3A_350 = tpu.memref_squeeze %dma_wait3A_349 : memref<1x!tpu.dma_semaphore, #tpu.memory_space<semaphore_mem>> -> memref<!tpu.dma_semaphore, #tpu.memory_space<semaphore_mem>>
    tpu.wait_indirect_dma semaphore(%dma_wait3A_350 : memref<!tpu.dma_semaphore, #tpu.memory_space<semaphore_mem>>) src(%dma_wait3A_348 : memref<100000x1024xf32, #tpu.memory_space<hbm>>) dst(%dma_wait3A_343 : memref<8x1024xf32, #tpu.memory_space<vmem>>)
    %add3A_351 = arith.constant 496 : i32
    %add3A_352 = arith.addi %mul3A_32, %add3A_351 : i32
    %dma_start3A_353 = arith.constant 6 : i32
    %dma_start3A_354 = arith.constant 6 : i32
    %dma_start3A_355 = arith.constant 0 : i32
    %dma_start3A_356 = arith.constant 0 : i32
    %dma_start3A_357 = tpu.memref_slice %arg6[%dma_start3A_353, %dma_start3A_355, %dma_start3A_356] : memref<8x8x1024xf32, #tpu.memory_space<vmem>> -> memref<1x8x1024xf32, #tpu.memory_space<vmem>>
    %dma_start3A_358 = tpu.memref_squeeze %dma_start3A_357 : memref<1x8x1024xf32, #tpu.memory_space<vmem>> -> memref<8x1024xf32, #tpu.memory_space<vmem>>
    %dma_start3A_359 = arith.constant 0 : i32
    %dma_start3A_360 = tpu.memref_slice %arg4[%select_n3A, %add3A_352, %dma_start3A_359] : memref<4x4096x1024xf32, #tpu.memory_space<hbm>> -> memref<1x8x1024xf32, #tpu.memory_space<hbm>>
    %dma_start3A_361 = tpu.memref_squeeze %dma_start3A_360 : memref<1x8x1024xf32, #tpu.memory_space<hbm>> -> memref<8x1024xf32, #tpu.memory_space<hbm>>
    %dma_start3A_362 = tpu.memref_slice %arg8[%dma_start3A_354] : memref<8x!tpu.dma_semaphore, #tpu.memory_space<semaphore_mem>> -> memref<1x!tpu.dma_semaphore, #tpu.memory_space<semaphore_mem>>
    %dma_start3A_363 = tpu.memref_squeeze %dma_start3A_362 : memref<1x!tpu.dma_semaphore, #tpu.memory_space<semaphore_mem>> -> memref<!tpu.dma_semaphore, #tpu.memory_space<semaphore_mem>>
    %dma_start3A_364 = arith.constant 0 : i32
    %dma_start3A_365 = tpu.memref_slice %arg4[%select_n3A, %add3A_352, %dma_start3A_364] : memref<4x4096x1024xf32, #tpu.memory_space<hbm>> -> memref<1x8x1024xf32, #tpu.memory_space<hbm>>
    %dma_start3A_366 = tpu.memref_squeeze %dma_start3A_365 : memref<1x8x1024xf32, #tpu.memory_space<hbm>> -> memref<8x1024xf32, #tpu.memory_space<hbm>>
    %dma_start3A_367 = arith.constant 0 : i32
    %dma_start3A_368 = arith.constant 0 : i32
    %dma_start3A_369 = tpu.memref_slice %arg6[%dma_start3A_353, %dma_start3A_367, %dma_start3A_368] : memref<8x8x1024xf32, #tpu.memory_space<vmem>> -> memref<1x8x1024xf32, #tpu.memory_space<vmem>>
    %dma_start3A_370 = tpu.memref_squeeze %dma_start3A_369 : memref<1x8x1024xf32, #tpu.memory_space<vmem>> -> memref<8x1024xf32, #tpu.memory_space<vmem>>
    tpu.enqueue_dma source(%dma_start3A_370 : memref<8x1024xf32, #tpu.memory_space<vmem>>) target(%dma_start3A_366 : memref<8x1024xf32, #tpu.memory_space<hbm>>) target_semaphore(%dma_start3A_363 : memref<!tpu.dma_semaphore, #tpu.memory_space<semaphore_mem>>)
    %dma_wait3A_371 = arith.constant 7 : i32
    %dma_wait3A_372 = arith.constant 7 : i32
    %dma_wait3A_373 = arith.constant 0 : i32
    %dma_wait3A_374 = arith.constant 0 : i32
    %dma_wait3A_375 = tpu.memref_slice %arg6[%dma_wait3A_371, %dma_wait3A_373, %dma_wait3A_374] : memref<8x8x1024xf32, #tpu.memory_space<vmem>> -> memref<1x8x1024xf32, #tpu.memory_space<vmem>>
    %dma_wait3A_376 = tpu.memref_squeeze %dma_wait3A_375 : memref<1x8x1024xf32, #tpu.memory_space<vmem>> -> memref<8x1024xf32, #tpu.memory_space<vmem>>
    %dma_wait3A_377 = arith.constant 504 : i32
    %dma_wait3A_378 = tpu.memref_slice %arg5[%dma_wait3A_377] : memref<512xi32, #tpu.memory_space<vmem>> -> memref<8xi32, #tpu.memory_space<vmem>>
    %dma_wait3A_379 = arith.constant 0 : i32
    %dma_wait3A_380 = arith.constant 0 : i32
    %dma_wait3A_381 = tpu.memref_slice %arg3[%dma_wait3A_379, %dma_wait3A_380] : memref<100000x1024xf32, #tpu.memory_space<hbm>> -> memref<100000x1024xf32, #tpu.memory_space<hbm>>
    %dma_wait3A_382 = tpu.memref_slice %arg7[%dma_wait3A_372] : memref<8x!tpu.dma_semaphore, #tpu.memory_space<semaphore_mem>> -> memref<1x!tpu.dma_semaphore, #tpu.memory_space<semaphore_mem>>
    %dma_wait3A_383 = tpu.memref_squeeze %dma_wait3A_382 : memref<1x!tpu.dma_semaphore, #tpu.memory_space<semaphore_mem>> -> memref<!tpu.dma_semaphore, #tpu.memory_space<semaphore_mem>>
    tpu.wait_indirect_dma semaphore(%dma_wait3A_383 : memref<!tpu.dma_semaphore, #tpu.memory_space<semaphore_mem>>) src(%dma_wait3A_381 : memref<100000x1024xf32, #tpu.memory_space<hbm>>) dst(%dma_wait3A_376 : memref<8x1024xf32, #tpu.memory_space<vmem>>)
    %add3A_384 = arith.constant 504 : i32
    %add3A_385 = arith.addi %mul3A_32, %add3A_384 : i32
    %dma_start3A_386 = arith.constant 7 : i32
    %dma_start3A_387 = arith.constant 7 : i32
    %dma_start3A_388 = arith.constant 0 : i32
    %dma_start3A_389 = arith.constant 0 : i32
    %dma_start3A_390 = tpu.memref_slice %arg6[%dma_start3A_386, %dma_start3A_388, %dma_start3A_389] : memref<8x8x1024xf32, #tpu.memory_space<vmem>> -> memref<1x8x1024xf32, #tpu.memory_space<vmem>>
    %dma_start3A_391 = tpu.memref_squeeze %dma_start3A_390 : memref<1x8x1024xf32, #tpu.memory_space<vmem>> -> memref<8x1024xf32, #tpu.memory_space<vmem>>
    %dma_start3A_392 = arith.constant 0 : i32
    %dma_start3A_393 = tpu.memref_slice %arg4[%select_n3A, %add3A_385, %dma_start3A_392] : memref<4x4096x1024xf32, #tpu.memory_space<hbm>> -> memref<1x8x1024xf32, #tpu.memory_space<hbm>>
    %dma_start3A_394 = tpu.memref_squeeze %dma_start3A_393 : memref<1x8x1024xf32, #tpu.memory_space<hbm>> -> memref<8x1024xf32, #tpu.memory_space<hbm>>
    %dma_start3A_395 = tpu.memref_slice %arg8[%dma_start3A_387] : memref<8x!tpu.dma_semaphore, #tpu.memory_space<semaphore_mem>> -> memref<1x!tpu.dma_semaphore, #tpu.memory_space<semaphore_mem>>
    %dma_start3A_396 = tpu.memref_squeeze %dma_start3A_395 : memref<1x!tpu.dma_semaphore, #tpu.memory_space<semaphore_mem>> -> memref<!tpu.dma_semaphore, #tpu.memory_space<semaphore_mem>>
    %dma_start3A_397 = arith.constant 0 : i32
    %dma_start3A_398 = tpu.memref_slice %arg4[%select_n3A, %add3A_385, %dma_start3A_397] : memref<4x4096x1024xf32, #tpu.memory_space<hbm>> -> memref<1x8x1024xf32, #tpu.memory_space<hbm>>
    %dma_start3A_399 = tpu.memref_squeeze %dma_start3A_398 : memref<1x8x1024xf32, #tpu.memory_space<hbm>> -> memref<8x1024xf32, #tpu.memory_space<hbm>>
    %dma_start3A_400 = arith.constant 0 : i32
    %dma_start3A_401 = arith.constant 0 : i32
    %dma_start3A_402 = tpu.memref_slice %arg6[%dma_start3A_386, %dma_start3A_400, %dma_start3A_401] : memref<8x8x1024xf32, #tpu.memory_space<vmem>> -> memref<1x8x1024xf32, #tpu.memory_space<vmem>>
    %dma_start3A_403 = tpu.memref_squeeze %dma_start3A_402 : memref<1x8x1024xf32, #tpu.memory_space<vmem>> -> memref<8x1024xf32, #tpu.memory_space<vmem>>
    tpu.enqueue_dma source(%dma_start3A_403 : memref<8x1024xf32, #tpu.memory_space<vmem>>) target(%dma_start3A_399 : memref<8x1024xf32, #tpu.memory_space<hbm>>) target_semaphore(%dma_start3A_396 : memref<!tpu.dma_semaphore, #tpu.memory_space<semaphore_mem>>)
    %add3A_404 = arith.constant 448 : i32
    %add3A_405 = arith.addi %mul3A_32, %add3A_404 : i32
    %dma_wait3A_406 = arith.constant 0 : i32
    %dma_wait3A_407 = arith.constant 0 : i32
    %dma_wait3A_408 = arith.constant 0 : i32
    %dma_wait3A_409 = arith.constant 0 : i32
    %dma_wait3A_410 = tpu.memref_slice %arg6[%dma_wait3A_406, %dma_wait3A_408, %dma_wait3A_409] : memref<8x8x1024xf32, #tpu.memory_space<vmem>> -> memref<1x8x1024xf32, #tpu.memory_space<vmem>>
    %dma_wait3A_411 = tpu.memref_squeeze %dma_wait3A_410 : memref<1x8x1024xf32, #tpu.memory_space<vmem>> -> memref<8x1024xf32, #tpu.memory_space<vmem>>
    %dma_wait3A_412 = arith.constant 0 : i32
    %dma_wait3A_413 = tpu.memref_slice %arg4[%select_n3A, %add3A_405, %dma_wait3A_412] : memref<4x4096x1024xf32, #tpu.memory_space<hbm>> -> memref<1x8x1024xf32, #tpu.memory_space<hbm>>
    %dma_wait3A_414 = tpu.memref_squeeze %dma_wait3A_413 : memref<1x8x1024xf32, #tpu.memory_space<hbm>> -> memref<8x1024xf32, #tpu.memory_space<hbm>>
    %dma_wait3A_415 = tpu.memref_slice %arg8[%dma_wait3A_407] : memref<8x!tpu.dma_semaphore, #tpu.memory_space<semaphore_mem>> -> memref<1x!tpu.dma_semaphore, #tpu.memory_space<semaphore_mem>>
    %dma_wait3A_416 = tpu.memref_squeeze %dma_wait3A_415 : memref<1x!tpu.dma_semaphore, #tpu.memory_space<semaphore_mem>> -> memref<!tpu.dma_semaphore, #tpu.memory_space<semaphore_mem>>
    %dma_wait3A_417 = arith.constant 0 : i32
    %dma_wait3A_418 = tpu.memref_slice %arg4[%select_n3A, %add3A_405, %dma_wait3A_417] : memref<4x4096x1024xf32, #tpu.memory_space<hbm>> -> memref<1x8x1024xf32, #tpu.memory_space<hbm>>
    %dma_wait3A_419 = tpu.memref_squeeze %dma_wait3A_418 : memref<1x8x1024xf32, #tpu.memory_space<hbm>> -> memref<8x1024xf32, #tpu.memory_space<hbm>>
    %dma_wait3A_420 = arith.constant 0 : i32
    %dma_wait3A_421 = arith.constant 0 : i32
    %dma_wait3A_422 = tpu.memref_slice %arg6[%dma_wait3A_406, %dma_wait3A_420, %dma_wait3A_421] : memref<8x8x1024xf32, #tpu.memory_space<vmem>> -> memref<1x8x1024xf32, #tpu.memory_space<vmem>>
    %dma_wait3A_423 = tpu.memref_squeeze %dma_wait3A_422 : memref<1x8x1024xf32, #tpu.memory_space<vmem>> -> memref<8x1024xf32, #tpu.memory_space<vmem>>
    tpu.wait_dma2 semaphore(%dma_wait3A_416 : memref<!tpu.dma_semaphore, #tpu.memory_space<semaphore_mem>>) src(%dma_wait3A_423 : memref<8x1024xf32, #tpu.memory_space<vmem>>) dst(%dma_wait3A_419 : memref<8x1024xf32, #tpu.memory_space<hbm>>)
    %add3A_424 = arith.constant 456 : i32
    %add3A_425 = arith.addi %mul3A_32, %add3A_424 : i32
    %dma_wait3A_426 = arith.constant 1 : i32
    %dma_wait3A_427 = arith.constant 1 : i32
    %dma_wait3A_428 = arith.constant 0 : i32
    %dma_wait3A_429 = arith.constant 0 : i32
    %dma_wait3A_430 = tpu.memref_slice %arg6[%dma_wait3A_426, %dma_wait3A_428, %dma_wait3A_429] : memref<8x8x1024xf32, #tpu.memory_space<vmem>> -> memref<1x8x1024xf32, #tpu.memory_space<vmem>>
    %dma_wait3A_431 = tpu.memref_squeeze %dma_wait3A_430 : memref<1x8x1024xf32, #tpu.memory_space<vmem>> -> memref<8x1024xf32, #tpu.memory_space<vmem>>
    %dma_wait3A_432 = arith.constant 0 : i32
    %dma_wait3A_433 = tpu.memref_slice %arg4[%select_n3A, %add3A_425, %dma_wait3A_432] : memref<4x4096x1024xf32, #tpu.memory_space<hbm>> -> memref<1x8x1024xf32, #tpu.memory_space<hbm>>
    %dma_wait3A_434 = tpu.memref_squeeze %dma_wait3A_433 : memref<1x8x1024xf32, #tpu.memory_space<hbm>> -> memref<8x1024xf32, #tpu.memory_space<hbm>>
    %dma_wait3A_435 = tpu.memref_slice %arg8[%dma_wait3A_427] : memref<8x!tpu.dma_semaphore, #tpu.memory_space<semaphore_mem>> -> memref<1x!tpu.dma_semaphore, #tpu.memory_space<semaphore_mem>>
    %dma_wait3A_436 = tpu.memref_squeeze %dma_wait3A_435 : memref<1x!tpu.dma_semaphore, #tpu.memory_space<semaphore_mem>> -> memref<!tpu.dma_semaphore, #tpu.memory_space<semaphore_mem>>
    %dma_wait3A_437 = arith.constant 0 : i32
    %dma_wait3A_438 = tpu.memref_slice %arg4[%select_n3A, %add3A_425, %dma_wait3A_437] : memref<4x4096x1024xf32, #tpu.memory_space<hbm>> -> memref<1x8x1024xf32, #tpu.memory_space<hbm>>
    %dma_wait3A_439 = tpu.memref_squeeze %dma_wait3A_438 : memref<1x8x1024xf32, #tpu.memory_space<hbm>> -> memref<8x1024xf32, #tpu.memory_space<hbm>>
    %dma_wait3A_440 = arith.constant 0 : i32
    %dma_wait3A_441 = arith.constant 0 : i32
    %dma_wait3A_442 = tpu.memref_slice %arg6[%dma_wait3A_426, %dma_wait3A_440, %dma_wait3A_441] : memref<8x8x1024xf32, #tpu.memory_space<vmem>> -> memref<1x8x1024xf32, #tpu.memory_space<vmem>>
    %dma_wait3A_443 = tpu.memref_squeeze %dma_wait3A_442 : memref<1x8x1024xf32, #tpu.memory_space<vmem>> -> memref<8x1024xf32, #tpu.memory_space<vmem>>
    tpu.wait_dma2 semaphore(%dma_wait3A_436 : memref<!tpu.dma_semaphore, #tpu.memory_space<semaphore_mem>>) src(%dma_wait3A_443 : memref<8x1024xf32, #tpu.memory_space<vmem>>) dst(%dma_wait3A_439 : memref<8x1024xf32, #tpu.memory_space<hbm>>)
    %add3A_444 = arith.constant 464 : i32
    %add3A_445 = arith.addi %mul3A_32, %add3A_444 : i32
    %dma_wait3A_446 = arith.constant 2 : i32
    %dma_wait3A_447 = arith.constant 2 : i32
    %dma_wait3A_448 = arith.constant 0 : i32
    %dma_wait3A_449 = arith.constant 0 : i32
    %dma_wait3A_450 = tpu.memref_slice %arg6[%dma_wait3A_446, %dma_wait3A_448, %dma_wait3A_449] : memref<8x8x1024xf32, #tpu.memory_space<vmem>> -> memref<1x8x1024xf32, #tpu.memory_space<vmem>>
    %dma_wait3A_451 = tpu.memref_squeeze %dma_wait3A_450 : memref<1x8x1024xf32, #tpu.memory_space<vmem>> -> memref<8x1024xf32, #tpu.memory_space<vmem>>
    %dma_wait3A_452 = arith.constant 0 : i32
    %dma_wait3A_453 = tpu.memref_slice %arg4[%select_n3A, %add3A_445, %dma_wait3A_452] : memref<4x4096x1024xf32, #tpu.memory_space<hbm>> -> memref<1x8x1024xf32, #tpu.memory_space<hbm>>
    %dma_wait3A_454 = tpu.memref_squeeze %dma_wait3A_453 : memref<1x8x1024xf32, #tpu.memory_space<hbm>> -> memref<8x1024xf32, #tpu.memory_space<hbm>>
    %dma_wait3A_455 = tpu.memref_slice %arg8[%dma_wait3A_447] : memref<8x!tpu.dma_semaphore, #tpu.memory_space<semaphore_mem>> -> memref<1x!tpu.dma_semaphore, #tpu.memory_space<semaphore_mem>>
    %dma_wait3A_456 = tpu.memref_squeeze %dma_wait3A_455 : memref<1x!tpu.dma_semaphore, #tpu.memory_space<semaphore_mem>> -> memref<!tpu.dma_semaphore, #tpu.memory_space<semaphore_mem>>
    %dma_wait3A_457 = arith.constant 0 : i32
    %dma_wait3A_458 = tpu.memref_slice %arg4[%select_n3A, %add3A_445, %dma_wait3A_457] : memref<4x4096x1024xf32, #tpu.memory_space<hbm>> -> memref<1x8x1024xf32, #tpu.memory_space<hbm>>
    %dma_wait3A_459 = tpu.memref_squeeze %dma_wait3A_458 : memref<1x8x1024xf32, #tpu.memory_space<hbm>> -> memref<8x1024xf32, #tpu.memory_space<hbm>>
    %dma_wait3A_460 = arith.constant 0 : i32
    %dma_wait3A_461 = arith.constant 0 : i32
    %dma_wait3A_462 = tpu.memref_slice %arg6[%dma_wait3A_446, %dma_wait3A_460, %dma_wait3A_461] : memref<8x8x1024xf32, #tpu.memory_space<vmem>> -> memref<1x8x1024xf32, #tpu.memory_space<vmem>>
    %dma_wait3A_463 = tpu.memref_squeeze %dma_wait3A_462 : memref<1x8x1024xf32, #tpu.memory_space<vmem>> -> memref<8x1024xf32, #tpu.memory_space<vmem>>
    tpu.wait_dma2 semaphore(%dma_wait3A_456 : memref<!tpu.dma_semaphore, #tpu.memory_space<semaphore_mem>>) src(%dma_wait3A_463 : memref<8x1024xf32, #tpu.memory_space<vmem>>) dst(%dma_wait3A_459 : memref<8x1024xf32, #tpu.memory_space<hbm>>)
    %add3A_464 = arith.constant 472 : i32
    %add3A_465 = arith.addi %mul3A_32, %add3A_464 : i32
    %dma_wait3A_466 = arith.constant 3 : i32
    %dma_wait3A_467 = arith.constant 3 : i32
    %dma_wait3A_468 = arith.constant 0 : i32
    %dma_wait3A_469 = arith.constant 0 : i32
    %dma_wait3A_470 = tpu.memref_slice %arg6[%dma_wait3A_466, %dma_wait3A_468, %dma_wait3A_469] : memref<8x8x1024xf32, #tpu.memory_space<vmem>> -> memref<1x8x1024xf32, #tpu.memory_space<vmem>>
    %dma_wait3A_471 = tpu.memref_squeeze %dma_wait3A_470 : memref<1x8x1024xf32, #tpu.memory_space<vmem>> -> memref<8x1024xf32, #tpu.memory_space<vmem>>
    %dma_wait3A_472 = arith.constant 0 : i32
    %dma_wait3A_473 = tpu.memref_slice %arg4[%select_n3A, %add3A_465, %dma_wait3A_472] : memref<4x4096x1024xf32, #tpu.memory_space<hbm>> -> memref<1x8x1024xf32, #tpu.memory_space<hbm>>
    %dma_wait3A_474 = tpu.memref_squeeze %dma_wait3A_473 : memref<1x8x1024xf32, #tpu.memory_space<hbm>> -> memref<8x1024xf32, #tpu.memory_space<hbm>>
    %dma_wait3A_475 = tpu.memref_slice %arg8[%dma_wait3A_467] : memref<8x!tpu.dma_semaphore, #tpu.memory_space<semaphore_mem>> -> memref<1x!tpu.dma_semaphore, #tpu.memory_space<semaphore_mem>>
    %dma_wait3A_476 = tpu.memref_squeeze %dma_wait3A_475 : memref<1x!tpu.dma_semaphore, #tpu.memory_space<semaphore_mem>> -> memref<!tpu.dma_semaphore, #tpu.memory_space<semaphore_mem>>
    %dma_wait3A_477 = arith.constant 0 : i32
    %dma_wait3A_478 = tpu.memref_slice %arg4[%select_n3A, %add3A_465, %dma_wait3A_477] : memref<4x4096x1024xf32, #tpu.memory_space<hbm>> -> memref<1x8x1024xf32, #tpu.memory_space<hbm>>
    %dma_wait3A_479 = tpu.memref_squeeze %dma_wait3A_478 : memref<1x8x1024xf32, #tpu.memory_space<hbm>> -> memref<8x1024xf32, #tpu.memory_space<hbm>>
    %dma_wait3A_480 = arith.constant 0 : i32
    %dma_wait3A_481 = arith.constant 0 : i32
    %dma_wait3A_482 = tpu.memref_slice %arg6[%dma_wait3A_466, %dma_wait3A_480, %dma_wait3A_481] : memref<8x8x1024xf32, #tpu.memory_space<vmem>> -> memref<1x8x1024xf32, #tpu.memory_space<vmem>>
    %dma_wait3A_483 = tpu.memref_squeeze %dma_wait3A_482 : memref<1x8x1024xf32, #tpu.memory_space<vmem>> -> memref<8x1024xf32, #tpu.memory_space<vmem>>
    tpu.wait_dma2 semaphore(%dma_wait3A_476 : memref<!tpu.dma_semaphore, #tpu.memory_space<semaphore_mem>>) src(%dma_wait3A_483 : memref<8x1024xf32, #tpu.memory_space<vmem>>) dst(%dma_wait3A_479 : memref<8x1024xf32, #tpu.memory_space<hbm>>)
    %add3A_484 = arith.constant 480 : i32
    %add3A_485 = arith.addi %mul3A_32, %add3A_484 : i32
    %dma_wait3A_486 = arith.constant 4 : i32
    %dma_wait3A_487 = arith.constant 4 : i32
    %dma_wait3A_488 = arith.constant 0 : i32
    %dma_wait3A_489 = arith.constant 0 : i32
    %dma_wait3A_490 = tpu.memref_slice %arg6[%dma_wait3A_486, %dma_wait3A_488, %dma_wait3A_489] : memref<8x8x1024xf32, #tpu.memory_space<vmem>> -> memref<1x8x1024xf32, #tpu.memory_space<vmem>>
    %dma_wait3A_491 = tpu.memref_squeeze %dma_wait3A_490 : memref<1x8x1024xf32, #tpu.memory_space<vmem>> -> memref<8x1024xf32, #tpu.memory_space<vmem>>
    %dma_wait3A_492 = arith.constant 0 : i32
    %dma_wait3A_493 = tpu.memref_slice %arg4[%select_n3A, %add3A_485, %dma_wait3A_492] : memref<4x4096x1024xf32, #tpu.memory_space<hbm>> -> memref<1x8x1024xf32, #tpu.memory_space<hbm>>
    %dma_wait3A_494 = tpu.memref_squeeze %dma_wait3A_493 : memref<1x8x1024xf32, #tpu.memory_space<hbm>> -> memref<8x1024xf32, #tpu.memory_space<hbm>>
    %dma_wait3A_495 = tpu.memref_slice %arg8[%dma_wait3A_487] : memref<8x!tpu.dma_semaphore, #tpu.memory_space<semaphore_mem>> -> memref<1x!tpu.dma_semaphore, #tpu.memory_space<semaphore_mem>>
    %dma_wait3A_496 = tpu.memref_squeeze %dma_wait3A_495 : memref<1x!tpu.dma_semaphore, #tpu.memory_space<semaphore_mem>> -> memref<!tpu.dma_semaphore, #tpu.memory_space<semaphore_mem>>
    %dma_wait3A_497 = arith.constant 0 : i32
    %dma_wait3A_498 = tpu.memref_slice %arg4[%select_n3A, %add3A_485, %dma_wait3A_497] : memref<4x4096x1024xf32, #tpu.memory_space<hbm>> -> memref<1x8x1024xf32, #tpu.memory_space<hbm>>
    %dma_wait3A_499 = tpu.memref_squeeze %dma_wait3A_498 : memref<1x8x1024xf32, #tpu.memory_space<hbm>> -> memref<8x1024xf32, #tpu.memory_space<hbm>>
    %dma_wait3A_500 = arith.constant 0 : i32
    %dma_wait3A_501 = arith.constant 0 : i32
    %dma_wait3A_502 = tpu.memref_slice %arg6[%dma_wait3A_486, %dma_wait3A_500, %dma_wait3A_501] : memref<8x8x1024xf32, #tpu.memory_space<vmem>> -> memref<1x8x1024xf32, #tpu.memory_space<vmem>>
    %dma_wait3A_503 = tpu.memref_squeeze %dma_wait3A_502 : memref<1x8x1024xf32, #tpu.memory_space<vmem>> -> memref<8x1024xf32, #tpu.memory_space<vmem>>
    tpu.wait_dma2 semaphore(%dma_wait3A_496 : memref<!tpu.dma_semaphore, #tpu.memory_space<semaphore_mem>>) src(%dma_wait3A_503 : memref<8x1024xf32, #tpu.memory_space<vmem>>) dst(%dma_wait3A_499 : memref<8x1024xf32, #tpu.memory_space<hbm>>)
    %add3A_504 = arith.constant 488 : i32
    %add3A_505 = arith.addi %mul3A_32, %add3A_504 : i32
    %dma_wait3A_506 = arith.constant 5 : i32
    %dma_wait3A_507 = arith.constant 5 : i32
    %dma_wait3A_508 = arith.constant 0 : i32
    %dma_wait3A_509 = arith.constant 0 : i32
    %dma_wait3A_510 = tpu.memref_slice %arg6[%dma_wait3A_506, %dma_wait3A_508, %dma_wait3A_509] : memref<8x8x1024xf32, #tpu.memory_space<vmem>> -> memref<1x8x1024xf32, #tpu.memory_space<vmem>>
    %dma_wait3A_511 = tpu.memref_squeeze %dma_wait3A_510 : memref<1x8x1024xf32, #tpu.memory_space<vmem>> -> memref<8x1024xf32, #tpu.memory_space<vmem>>
    %dma_wait3A_512 = arith.constant 0 : i32
    %dma_wait3A_513 = tpu.memref_slice %arg4[%select_n3A, %add3A_505, %dma_wait3A_512] : memref<4x4096x1024xf32, #tpu.memory_space<hbm>> -> memref<1x8x1024xf32, #tpu.memory_space<hbm>>
    %dma_wait3A_514 = tpu.memref_squeeze %dma_wait3A_513 : memref<1x8x1024xf32, #tpu.memory_space<hbm>> -> memref<8x1024xf32, #tpu.memory_space<hbm>>
    %dma_wait3A_515 = tpu.memref_slice %arg8[%dma_wait3A_507] : memref<8x!tpu.dma_semaphore, #tpu.memory_space<semaphore_mem>> -> memref<1x!tpu.dma_semaphore, #tpu.memory_space<semaphore_mem>>
    %dma_wait3A_516 = tpu.memref_squeeze %dma_wait3A_515 : memref<1x!tpu.dma_semaphore, #tpu.memory_space<semaphore_mem>> -> memref<!tpu.dma_semaphore, #tpu.memory_space<semaphore_mem>>
    %dma_wait3A_517 = arith.constant 0 : i32
    %dma_wait3A_518 = tpu.memref_slice %arg4[%select_n3A, %add3A_505, %dma_wait3A_517] : memref<4x4096x1024xf32, #tpu.memory_space<hbm>> -> memref<1x8x1024xf32, #tpu.memory_space<hbm>>
    %dma_wait3A_519 = tpu.memref_squeeze %dma_wait3A_518 : memref<1x8x1024xf32, #tpu.memory_space<hbm>> -> memref<8x1024xf32, #tpu.memory_space<hbm>>
    %dma_wait3A_520 = arith.constant 0 : i32
    %dma_wait3A_521 = arith.constant 0 : i32
    %dma_wait3A_522 = tpu.memref_slice %arg6[%dma_wait3A_506, %dma_wait3A_520, %dma_wait3A_521] : memref<8x8x1024xf32, #tpu.memory_space<vmem>> -> memref<1x8x1024xf32, #tpu.memory_space<vmem>>
    %dma_wait3A_523 = tpu.memref_squeeze %dma_wait3A_522 : memref<1x8x1024xf32, #tpu.memory_space<vmem>> -> memref<8x1024xf32, #tpu.memory_space<vmem>>
    tpu.wait_dma2 semaphore(%dma_wait3A_516 : memref<!tpu.dma_semaphore, #tpu.memory_space<semaphore_mem>>) src(%dma_wait3A_523 : memref<8x1024xf32, #tpu.memory_space<vmem>>) dst(%dma_wait3A_519 : memref<8x1024xf32, #tpu.memory_space<hbm>>)
    %add3A_524 = arith.constant 496 : i32
    %add3A_525 = arith.addi %mul3A_32, %add3A_524 : i32
    %dma_wait3A_526 = arith.constant 6 : i32
    %dma_wait3A_527 = arith.constant 6 : i32
    %dma_wait3A_528 = arith.constant 0 : i32
    %dma_wait3A_529 = arith.constant 0 : i32
    %dma_wait3A_530 = tpu.memref_slice %arg6[%dma_wait3A_526, %dma_wait3A_528, %dma_wait3A_529] : memref<8x8x1024xf32, #tpu.memory_space<vmem>> -> memref<1x8x1024xf32, #tpu.memory_space<vmem>>
    %dma_wait3A_531 = tpu.memref_squeeze %dma_wait3A_530 : memref<1x8x1024xf32, #tpu.memory_space<vmem>> -> memref<8x1024xf32, #tpu.memory_space<vmem>>
    %dma_wait3A_532 = arith.constant 0 : i32
    %dma_wait3A_533 = tpu.memref_slice %arg4[%select_n3A, %add3A_525, %dma_wait3A_532] : memref<4x4096x1024xf32, #tpu.memory_space<hbm>> -> memref<1x8x1024xf32, #tpu.memory_space<hbm>>
    %dma_wait3A_534 = tpu.memref_squeeze %dma_wait3A_533 : memref<1x8x1024xf32, #tpu.memory_space<hbm>> -> memref<8x1024xf32, #tpu.memory_space<hbm>>
    %dma_wait3A_535 = tpu.memref_slice %arg8[%dma_wait3A_527] : memref<8x!tpu.dma_semaphore, #tpu.memory_space<semaphore_mem>> -> memref<1x!tpu.dma_semaphore, #tpu.memory_space<semaphore_mem>>
    %dma_wait3A_536 = tpu.memref_squeeze %dma_wait3A_535 : memref<1x!tpu.dma_semaphore, #tpu.memory_space<semaphore_mem>> -> memref<!tpu.dma_semaphore, #tpu.memory_space<semaphore_mem>>
    %dma_wait3A_537 = arith.constant 0 : i32
    %dma_wait3A_538 = tpu.memref_slice %arg4[%select_n3A, %add3A_525, %dma_wait3A_537] : memref<4x4096x1024xf32, #tpu.memory_space<hbm>> -> memref<1x8x1024xf32, #tpu.memory_space<hbm>>
    %dma_wait3A_539 = tpu.memref_squeeze %dma_wait3A_538 : memref<1x8x1024xf32, #tpu.memory_space<hbm>> -> memref<8x1024xf32, #tpu.memory_space<hbm>>
    %dma_wait3A_540 = arith.constant 0 : i32
    %dma_wait3A_541 = arith.constant 0 : i32
    %dma_wait3A_542 = tpu.memref_slice %arg6[%dma_wait3A_526, %dma_wait3A_540, %dma_wait3A_541] : memref<8x8x1024xf32, #tpu.memory_space<vmem>> -> memref<1x8x1024xf32, #tpu.memory_space<vmem>>
    %dma_wait3A_543 = tpu.memref_squeeze %dma_wait3A_542 : memref<1x8x1024xf32, #tpu.memory_space<vmem>> -> memref<8x1024xf32, #tpu.memory_space<vmem>>
    tpu.wait_dma2 semaphore(%dma_wait3A_536 : memref<!tpu.dma_semaphore, #tpu.memory_space<semaphore_mem>>) src(%dma_wait3A_543 : memref<8x1024xf32, #tpu.memory_space<vmem>>) dst(%dma_wait3A_539 : memref<8x1024xf32, #tpu.memory_space<hbm>>)
    %add3A_544 = arith.constant 504 : i32
    %add3A_545 = arith.addi %mul3A_32, %add3A_544 : i32
    %dma_wait3A_546 = arith.constant 7 : i32
    %dma_wait3A_547 = arith.constant 7 : i32
    %dma_wait3A_548 = arith.constant 0 : i32
    %dma_wait3A_549 = arith.constant 0 : i32
    %dma_wait3A_550 = tpu.memref_slice %arg6[%dma_wait3A_546, %dma_wait3A_548, %dma_wait3A_549] : memref<8x8x1024xf32, #tpu.memory_space<vmem>> -> memref<1x8x1024xf32, #tpu.memory_space<vmem>>
    %dma_wait3A_551 = tpu.memref_squeeze %dma_wait3A_550 : memref<1x8x1024xf32, #tpu.memory_space<vmem>> -> memref<8x1024xf32, #tpu.memory_space<vmem>>
    %dma_wait3A_552 = arith.constant 0 : i32
    %dma_wait3A_553 = tpu.memref_slice %arg4[%select_n3A, %add3A_545, %dma_wait3A_552] : memref<4x4096x1024xf32, #tpu.memory_space<hbm>> -> memref<1x8x1024xf32, #tpu.memory_space<hbm>>
    %dma_wait3A_554 = tpu.memref_squeeze %dma_wait3A_553 : memref<1x8x1024xf32, #tpu.memory_space<hbm>> -> memref<8x1024xf32, #tpu.memory_space<hbm>>
    %dma_wait3A_555 = tpu.memref_slice %arg8[%dma_wait3A_547] : memref<8x!tpu.dma_semaphore, #tpu.memory_space<semaphore_mem>> -> memref<1x!tpu.dma_semaphore, #tpu.memory_space<semaphore_mem>>
    %dma_wait3A_556 = tpu.memref_squeeze %dma_wait3A_555 : memref<1x!tpu.dma_semaphore, #tpu.memory_space<semaphore_mem>> -> memref<!tpu.dma_semaphore, #tpu.memory_space<semaphore_mem>>
    %dma_wait3A_557 = arith.constant 0 : i32
    %dma_wait3A_558 = tpu.memref_slice %arg4[%select_n3A, %add3A_545, %dma_wait3A_557] : memref<4x4096x1024xf32, #tpu.memory_space<hbm>> -> memref<1x8x1024xf32, #tpu.memory_space<hbm>>
    %dma_wait3A_559 = tpu.memref_squeeze %dma_wait3A_558 : memref<1x8x1024xf32, #tpu.memory_space<hbm>> -> memref<8x1024xf32, #tpu.memory_space<hbm>>
    %dma_wait3A_560 = arith.constant 0 : i32
    %dma_wait3A_561 = arith.constant 0 : i32
    %dma_wait3A_562 = tpu.memref_slice %arg6[%dma_wait3A_546, %dma_wait3A_560, %dma_wait3A_561] : memref<8x8x1024xf32, #tpu.memory_space<vmem>> -> memref<1x8x1024xf32, #tpu.memory_space<vmem>>
    %dma_wait3A_563 = tpu.memref_squeeze %dma_wait3A_562 : memref<1x8x1024xf32, #tpu.memory_space<vmem>> -> memref<8x1024xf32, #tpu.memory_space<vmem>>
    tpu.wait_dma2 semaphore(%dma_wait3A_556 : memref<!tpu.dma_semaphore, #tpu.memory_space<semaphore_mem>>) src(%dma_wait3A_563 : memref<8x1024xf32, #tpu.memory_space<vmem>>) dst(%dma_wait3A_559 : memref<8x1024xf32, #tpu.memory_space<hbm>>)
    return
  }
}

</mosaic_0001>

<sc_bundles>
// kernel: kernel.3.cloned.1.call-start
scs
__scs_entry_jumppad:
0x0: {  	(pc) =	sbr.rel $0x88, $3  }
0x1: {  	(tag) =	ssettag $0x0;
	lr =	simm.s32 $0x1  }
0x2: {  	[smem:$0x3F9F] =	sst lr;
	_ =	strace $0xD0000000  }
0x3: {  	_ = 	snop  }
0x4: {  	_ = 	snop  }
0x5: {  	_ = 	snop  }
0x6: {  	_ = 	snop  }
0x7: {  	_ = 	snop  }
__scs_overlays_trampoline_lowered:
0x8: {  	[smem:$0x3FAE] =	sst s0  }
0x9: {  	[smem:$0x3FAF] =	sst s1  }
0xa: {  	[smem:$0x3FB0] =	sst s2  }
0xb: {  	[smem:$0x3FB1] =	sst s3  }
0xc: {  	[smem:$0x3FB2] =	sst s4  }
0xd: {  	[smem:$0x3FB3] =	sst s5  }
0xe: {  	[smem:$0x3FB4] =	sst s6  }
0xf: {  	[smem:$0x3FB5] =	sst s7  }
0x10: {  	[smem:$0x3FB6] =	sst s8  }
0x11: {  	[smem:$0x3FB7] =	sst s9;
	s0 =	simm.s32 @!p0 $0x0  }
0x12: {  	s1 =	sld [smem:$0x3F9D];
	s0 =	simm.s32 @p0 $0x1  }
0x13: {  	[smem:$0x3FB8] =	sst s0;
	s0 =	simm.s32 @!p1 $0x0  }
0x14: {  	s2 =	sld [smem:$0x3F9C];
	s0 =	simm.s32 @p1 $0x1  }
0x15: {  	[smem:$0x3FB9] =	sst s0;
	s0 =	simm.s32 @!p2 $0x0  }
0x16: {  	s3 =	sld [smem:$0x3FDB];
	s0 =	simm.s32 @p2 $0x1  }
0x17: {  	s4 =	simm.s32 $0x1BF5;
	[smem:$0x3FBB] =	sst s0  }
0x18: {  	s0 =	sld [smem:$0x3F9E];
	_ =	swait.ge [sflag:s4], $0x0  }
0x19: {  	s7 =	sld [smem:$0x3F9F]  }
0x1a: {  	s8 =	sadd.s32 $0xFFFFE003, lr  }
0x1b: {  	s9 =	sadd.s32 $0xFFFFFEF7, lr;
	s5 =	simm.s32 $0xFFFFFFFF;
	p2 =	slt.u32 s8, $0xFFFFF086  }
0x1c: {  	p1 =	slt.u32 s9, $0xF7A;
	s5 =	simm.s32 @!p2 $0x0  }
0x1d: {  	s5 =	simm.s32 @p1 $0x1;
	p0 =	seq.s32 s7, s2  }
0x1e: {  	s7 =	smul.u32 @!p0 $0xF7A, s2;
	p2 =	seq.s32 @!p0 s5, $0x0  }
0x1f: {  	s9 =	smul.u32 $0xF7A, s1;
	s8 =	simm.s32 @!p0 $0x1BF5;
	p2 =	por !p2, p0  }
0x20: {  	[sflag:s8] =	ssyncset.s32 @!p0 $0xFFFFF086;
	s6 =	sadd.s32 @!p0 s3, s7;
	s7 =	simm.s32 @!p0 $0x108  }
0x21: {  	s3 =	sadd.s32 s3, s9;
	s6 =	sadd.s32 @!p0 $0x88, s6;
	s7 =	simm.s32 @p2 $0x1082  }
0x22: {  	[simem:s7], [sflag:s8] =	dma.local @!p0 [hbm:s6], $0xF7A  }
0x23: {  	s9 =	sor.u32 $0xD0000000, s2;
	s6 =	simm.s32 $0x108;
	_ =	swait.ge @!p0 [sflag:s8], $0x0  }
0x24: {  	s3 =	sadd.s32 $0x88, s3;
	s6 =	simm.s32 @!p1 $0x1082;
	[sflag:s4] =	ssyncset.s32 $0xFFFFF086  }
0x25: {  	[simem:s6], [sflag:s4] =	dma.local [hbm:s3], $0xF7A  }
0x26: {  	[smem:$0x3F9F] =	sst s1;
	(tag) =	ssettag s2;
	_ =	strace s9  }
0x27: {  	s1 =	sld [smem:$0x3FAF]  }
0x28: {  	s2 =	sld [smem:$0x3FB0]  }
0x29: {  	s4 =	sld [smem:$0x3FB2]  }
0x2a: {  	p0 =	seq.s32 s5, $0x0;
	s5 =	sld [smem:$0x3FB3]  }
0x2b: {  	s6 =	sld [smem:$0x3FB4]  }
0x2c: {  	s7 =	sld [smem:$0x3FB5]  }
0x2d: {  	s3 =	simm.s32 $0x108;
	s8 =	sld [smem:$0x3FB6]  }
0x2e: {  	s3 =	simm.s32 @!p0 $0x1082;
	s9 =	sld [smem:$0x3FB7]  }
0x2f: {  	lr =	sadd.s32 s0, s3;
	s0 =	sld [smem:$0x3FAE]  }
0x30: {  	s3 =	sld [smem:$0x3FB1]  }
0x31: {  	[smem:$0x3FBA] =	sst s10  }
0x32: {  	s10 =	sld [smem:$0x3FB8];
	_ =	sdelay $0x3  }
0x33: {  	p0 =	seq.s32 s10, $0x1;
	s10 =	sld [smem:$0x3FBA];
	_ =	sdelay $0x3  }
0x34: {  	[smem:$0x3FBA] =	sst s10  }
0x35: {  	s10 =	sld [smem:$0x3FB9];
	_ =	sdelay $0x3  }
0x36: {  	p1 =	seq.s32 s10, $0x1;
	s10 =	sld [smem:$0x3FBA];
	_ =	sdelay $0x3  }
0x37: {  	[smem:$0x3FBA] =	sst s10  }
0x38: {  	s10 =	sld [smem:$0x3FBB]  }
0x39: {  	_ = 	snop;
	(pc) =	sbr.ind lr, $3  }
0x3a: {  	_ = 	snop  }
0x3b: {  	_ = 	snop  }
0x3c: {  	p2 =	seq.s32 s10, $0x1;
	s10 =	sld [smem:$0x3FBA]  }
0x3d: {  	_ =	shalt  }
0x3e: {  	_ =	shalt  }
0x3f: {  	_ =	shalt  }
0x40: {  	_ =	shalt  }
0x41: {  	_ =	shalt  }
0x42: {  	_ =	shalt  }
0x43: {  	_ =	shalt  }
0x44: {  	_ =	shalt  }
0x45: {  	_ =	shalt  }
0x46: {  	_ =	shalt  }
0x47: {  	_ =	shalt  }
0x48: {  	_ =	shalt  }
0x49: {  	_ =	shalt  }
0x4a: {  	_ =	shalt  }
0x4b: {  	_ =	shalt  }
0x4c: {  	_ =	shalt  }
0x4d: {  	_ =	shalt  }
0x4e: {  	_ =	shalt  }
0x4f: {  	_ =	shalt  }
0x50: {  	_ =	shalt  }
0x51: {  	_ =	shalt  }
0x52: {  	_ =	shalt  }
0x53: {  	_ =	shalt  }
0x54: {  	_ =	shalt  }
0x55: {  	_ =	shalt  }
0x56: {  	_ =	shalt  }
0x57: {  	_ =	shalt  }
0x58: {  	_ =	shalt  }
0x59: {  	_ =	shalt  }
0x5a: {  	_ =	shalt  }
0x5b: {  	_ =	shalt  }
0x5c: {  	_ =	shalt  }
0x5d: {  	_ =	shalt  }
0x5e: {  	_ =	shalt  }
0x5f: {  	_ =	shalt  }
0x60: {  	_ =	shalt  }
0x61: {  	_ =	shalt  }
0x62: {  	_ =	shalt  }
0x63: {  	_ =	shalt  }
0x64: {  	_ =	shalt  }
0x65: {  	_ =	shalt  }
0x66: {  	_ =	shalt  }
0x67: {  	_ =	shalt  }
0x68: {  	_ =	shalt  }
0x69: {  	_ =	shalt  }
0x6a: {  	_ =	shalt  }
0x6b: {  	_ =	shalt  }
0x6c: {  	_ =	shalt  }
0x6d: {  	_ =	shalt  }
0x6e: {  	_ =	shalt  }
0x6f: {  	_ =	shalt  }
0x70: {  	_ =	shalt  }
0x71: {  	_ =	shalt  }
0x72: {  	_ =	shalt  }
0x73: {  	_ =	shalt  }
0x74: {  	_ =	shalt  }
0x75: {  	_ =	shalt  }
0x76: {  	_ =	shalt  }
0x77: {  	_ =	shalt  }
0x78: {  	_ =	shalt  }
0x79: {  	_ =	shalt  }
0x7a: {  	_ =	shalt  }
0x7b: {  	_ =	shalt  }
0x7c: {  	_ =	shalt  }
0x7d: {  	_ =	shalt  }
0x7e: {  	_ =	shalt  }
0x7f: {  	_ =	shalt  }
0x80: {  	_ =	shalt  }
0x81: {  	_ =	shalt  }
0x82: {  	_ =	shalt  }
0x83: {  	_ =	shalt  }
0x84: {  	_ =	shalt  }
0x85: {  	_ =	shalt  }
0x86: {  	_ =	shalt  }
0x87: {  	_ =	shalt  }
.Lfunc_end0:
.L_simem_size_0:
called_computation_lowered:
.L_overlay_start_0:
0x88: {  	s2 =	sld [smem:$0x3FD9]  }
0x89: {  	s3 =	sld [smem:$0x3FFE];
	_ =	sdelay $0x1  }
0x8a: {  	s1 =	srdreg.scid  }
0x8b: {  	s0 =	sand.u32 $0x1, s1  }
0x8c: {  	s18 =	sshll.u32 s0, $0xA;
	s2 =	sadd.s32 s3, s2  }
0x8d: {  	s2 =	sadd.s32 s2, s18  }
0x8e: {  	[smem:$0x3FC6] =	sst s2  }
0x8f: {  	_ = 	snop  }
0x90: {  	s2 =	sld [smem:$0x3FC9]  }
0x91: {  	s19 =	sld [smem:$0x3FC8]  }
0x92: {  	s4 =	sld [smem:$0x3FD0];
	(tm) =	ssettm $0x1  }
0x93: {  	s5 =	sld [smem:$0x3FFB];
	_ =	sdelay $0x3  }
0x94: {  	_ =	strace s5  }
0x95: {  	s5 =	sld [smem:$0x3FFC];
	_ =	sdelay $0x3  }
0x96: {  	_ =	strace s5  }
0x97: {  	s5 =	sld [smem:$0x3FFD];
	_ =	sdelay $0x3  }
0x98: {  	_ =	strace s5  }
0x99: {  	_ =	strace $0x8FFFFFFF  }
0x9a: {  	s20 =	sld [smem:$0x3FDB];
	_ =	sdelay $0x1  }
0x9b: {  	s6 =	simm.s32 $_scs_section_size  }
0x9c: {  	s7 =	simm.s32 $_size__tile_overlayer_lowered;
	s8 =	simm.s32 $_tile_overlayer_lowered  }
0x9d: {  	s23 =	simm.s32 $0x1BFF;
	s22 =	sshll.u32 s8, $0x1;
	s5 =	sadd.s32 s6, s20  }
0x9e: {  	s9 =	simm.s32 $0x0;
	s21 =	sshll.u32 s7, $0x1;
	s7 =	sadd.s32 s22, s5  }
0x9f: {  	[timem:s9], [sflag:s23] =	dma.local [hbm:s7], s21  }
0xa0: {  	_ =	swait.ge [sflag:s23], s21  }
0xa1: {  	s6 =	ssub.s32 $0x0, s21;
	[sflag:s23] =	ssyncset.done $0x0  }
0xa2: {  	[sflag:s23] =	ssyncadd.s32 s6;
	_ =	sdelay $0x1  }
0xa3: {  	s24 =	simm.s32 $0x1B8B  }
0xa4: {  	_ =	swait.ge [sflag:s24], $0x1  }
0xa5: {  	[sflag:s24] =	ssyncset.done $0x0  }
0xa6: {  	s25 =	simm.s32 $0x1B8E;
	[sflag:s24] =	ssyncadd.s32 $0xFFFFFFFF  }
0xa7: {  	s26 =	simm.s32 $execute0_lowered;
	[smem:$0x3FD2] =	sst s25  }
0xa8: {  	s6 =	sshll.u32 s26, $0x1;
	_ =	strace $0x80000046;
	[dreg:$0x1] =	wrdreg $0xFFFFFFFF  }
0xa9: {  	s28 =	simm.s32 $_size_execute0_lowered;
	s5 =	sadd.s32 s5, s6;
	[dreg:$0x0] =	wrdreg $0x0  }
0xaa: {  	s6 =	sshll.u32 s28, $0x1;
	[dreg:$0x2] =	wrdreg s5  }
0xab: {  	[dreg:$0x3] =	wrdreg s6  }
0xac: {  	[dreg:$0x4] =	wrdreg $0xC0  }
0xad: {  	_ =	task [dreg:s9], $0x5FFFF  }
0xae: {  	[dreg:$0x1] =	wrdreg $0xFFFFFFFF  }
0xaf: {  	[dreg:$0x0] =	wrdreg $0x60  }
0xb0: {  	[dreg:$0x2] =	wrdreg s2  }
0xb1: {  	[dreg:$0x3] =	wrdreg s19  }
0xb2: {  	[dreg:$0x4] =	wrdreg s4  }
0xb3: {  	[dreg:$0x5] =	wrdreg $0x9  }
0xb4: {  	_ =	task.clear_ibuf [dreg:s9], $0x6FFFF;
	_ =	strace $0x90000046  }
0xb5: {  	s29 =	simm.s32 $0x9;
	_ =	strace $0x80000048  }
0xb6: {  	_ =	swait.ge [sflag:s29], $0x1  }
0xb7: {  	[sflag:s29] =	ssyncadd.s32 $0xFFFFFFFF  }
0xb8: {  	_ =	strace $0x90000048  }
0xb9: {  	_ =	sfence  }
0xba: {  	s30 =	sld [smem:$0x0];
	_ =	sdelay $0x2  }
0xbb: {  	s31 =	sshll.u32 s1, $0xD;
	s1 =	sshrl.u32 s1, $0x2  }
0xbc: {  	s3 =	sand.u32 $0x4000, s31;
	s1 =	sadd.s32 s1, s30  }
0xbd: {  	s0 =	sor.u32 s3, s0;
	s1 =	sshll.u32 s1, $0x11  }
0xbe: {  	s0 =	sor.u32 s1, s0  }
0xbf: {  	s0 =	sadd.s32 $0x8F2B, s0  }
0xc0: {  	[sflag:s0] =	ssyncadd.remote.s32 $0x1  }
0xc1: {  	_ =	sfence.sel $0xFFFF  }
0xc2: {  	[dreg:$0x0] =	wrdreg $0xFFFFFFFF;
	(pc) =	sbr.abs _section_cstart, $3  }
0xc3: {  	[dreg:$0x1] =	wrdreg $0xFFFFFFFF  }
0xc4: {  	_ =	task.clear_ibuf [dreg:s9], $0x2FFFF;
	_ =	strace $0x9FFFFFFF  }
0xc5: {  	(tm) =	ssettm $0x7FFFFFFF  }
tec
execute0_lowered:
.L_overlay_start_1:
0x0: {  	(tag) =	ssettag $0x1  }
0x1: {  	s2 =	rddreg [dreg:$0x0]  }
0x2: {  	s1 =	rddreg [dreg:$0x1]  }
0x3: {  	s0 =	rddreg [dreg:$0x2]  }
0x4: {  	s4 =	srdreg.scid;
	s3 =	simm.s32 $0x0;
	s10 =	stileid.u32  }
0x5: {  	s31 =	simm.s32 $0xA00;
	s28 =	simm.s32 $0x1A00;
	s29 =	simm.s32 $0xC200  }
0x6: {  	s30 =	simm.s32 $0xE200;
	s4 =	sand.u32 $0x1, s4;
	[smem:$0x7FF] =	sst s3  }
0x7: {  	s6 =	sshll.u32 s10, $0x1;
	s16 =	sshrl.u32 s10, $0x2;
	s10 =	sand.u32 $0x3, s10  }
0x8: {  	s5 =	ssub.s32 $0x2, s4;
	_ =	strace $0x80000047;
	s6 =	sand.u32 $0x6, s6  }
0x9: {  	s17 =	sshll.u32 s16, $0x4;
	s9 =	sshll.u32 s16, $0x16;
	s10 =	sshll.u32 s10, $0x14  }
0xa: {  	s7 =	sshrl.u32 s5, $0x1;
	s6 =	sor.u32 s4, s6;
	s2 =	sadd.s32 s2, s17  }
0xb: {  	s4 =	sshll.u32 s4, $0x13;
	s8 =	ssub.s32 s5, s7;
	s18 =	sshll.u32 s6, $0x13  }
0xc: {  	s6 =	sshll.u32 s6, $0x8;
	s5 =	sadd.s32 $0x100, s1;
	s7 =	sadd.s32 $0x300, s1  }
0xd: {  	s19 =	sor.u32 s9, s18;
	s2 =	sadd.s32 s6, s2;
	s9 =	sor.u32 s10, s9  }
0xe: {  	s6 =	sadd.s32 $0x200, s1;
	s20 =	sshrl.u32 s19, $0x3;
	s4 =	sor.u32 s4, s9  }
0xf: {  	[dreg:$0xc] =	wrdreg s2;
	s2 =	sadd.s32 s20, s0;
	s25 =	sshrl.u32 s4, $0x3  }
0x10: {  	s26 =	sor.u32 $0x2000, s4;
	s14 =	sor.u32 $0x4000, s4;
	s16 =	sor.u32 $0x6000, s4  }
0x11: {  	s17 =	sor.u32 $0x8000, s4;
	s11 =	sadd.s32 $0xE000, s2;
	s21 =	sadd.s32 $0xE400, s2  }
0x12: {  	s22 =	sadd.s32 $0xE800, s2;
	s23 =	sadd.s32 $0xEC00, s2;
	[dreg:$0xd] =	wrdreg s11  }
0x13: {  	s24 =	sadd.s32 $0xF000, s2;
	s12 =	sadd.s32 $0xF400, s2;
	[dreg:$0xe] =	wrdreg s21  }
0x14: {  	s9 =	sadd.s32 s25, s0;
	s10 =	sshrl.u32 s26, $0x3;
	[dreg:$0xf] =	wrdreg s22  }
0x15: {  	s15 =	sshrl.u32 s14, $0x3;
	s19 =	sshrl.u32 s17, $0x3;
	[dreg:$0x10] =	wrdreg s23  }
0x16: {  	s25 =	sadd.s32 $0xF800, s2;
	s2 =	sadd.s32 $0xFC00, s2;
	[dreg:$0x11] =	wrdreg s24  }
0x17: {  	s26 =	smax.u32 s8, $0x1;
	s8 =	simm.s32 $0x2200;
	[dreg:$0x12] =	wrdreg s12  }
0x18: {  	s17 =	simm.s32 $0x2;
	s14 =	simm.s32 $0x8;
	[dreg:$0x4] =	wrdreg s9  }
0x19: {  	s13 =	sadd.s32 s10, s0;
	s9 =	sadd.s32 s15, s0;
	s10 =	sshrl.u32 s16, $0x3  }
0x1a: {  	s20 =	sadd.s32 s19, s0;
	s21 =	sor.u32 $0xA000, s4;
	[dreg:$0x13] =	wrdreg s25  }
0x1b: {  	s23 =	sor.u32 $0xC000, s4;
	s4 =	sor.u32 $0xE000, s4;
	[dreg:$0x14] =	wrdreg s2  }
0x1c: {  	[dreg:$0x15] =	wrdreg s26;
	s12 =	simm.s32 $0x6200;
	s16 =	simm.s32 $0x8200  }
0x1d: {  	s2 =	simm.s32 $0x0;
	s11 =	simm.s32 $0x6;
	[dreg:$0x5] =	wrdreg s13  }
0x1e: {  	s15 =	simm.s32 $0x9;
	s19 =	simm.s32 $0xA;
	[dreg:$0x6] =	wrdreg s9  }
0x1f: {  	s18 =	sadd.s32 s10, s0;
	[dreg:$0x8] =	wrdreg s20;
	s22 =	sshrl.u32 s21, $0x3  }
0x20: {  	s10 =	sshrl.u32 s23, $0x3;
	s4 =	sshrl.u32 s4, $0x3;
	s13 =	simm.s32 $0x7  }
0x21: {  	s20 =	simm.s32 $0xB;
	[dreg:$0x7] =	wrdreg s18;
	s9 =	sadd.s32 s22, s0  }
0x22: {  	s21 =	simm.s32 $0xC;
	s24 =	sadd.s32 s10, s0;
	[dreg:$0x9] =	wrdreg s9  }
0x23: {  	v0 =	vlaneseq.u32;
	s0 =	sadd.s32 s4, s0;
	s18 =	simm.s32 $0x4200;
	[dreg:$0xa] =	wrdreg s24  }
0x24: {  	v1 =	vshrl.u32 v0, $0x3;
	s22 =	simm.s32 $0xA200;
	s10 =	simm.s32 $0x5;
	[dreg:$0xb] =	wrdreg s0  }
0x25: {  	vm0 =	vmmov $0xffff;
	v0 =	vand.u32 $0x7, v0;
	v1 =	vmul.u32 $0x8, v1;
	s0 =	simm.s32 $0x1200;
	s9 =	simm.s32 $0x4;
	s24 =	simm.s32 $0xD  }
.LBB2_1:
0x26: {  	s23 =	rddreg [dreg:$0xc];
	s25 =	simm.s32 $0x80;
	s26 =	simm.s32 $0x200  }
0x27: {  	[tilespmem:s3], [sflag:$0x11] =	stream.strided.gather [hbm4b:s23+s25], $0x200, s26, s25, $0x38;
	[tilespmem:$0x10200] =	vst v63  }
0x28: {  	[dreg:$0x16] =	wrdreg s2;
	s25 =	simm.s32 $0x11  }
0x29: {  	_ =	swait.ge [sflag:s25], $0x200  }
0x2a: {  	[sflag:s25] =	ssyncset.done $0x0  }
0x2b: {  	[sflag:s25] =	ssyncadd.s32 $0xFFFFFE00  }
0x2c: {  	v2 =	vld.msk [tilespmem:$0x0], $0xff;
	_ =	sdelay $0x4  }
0x2d: {  	v3 =	vshll.u32 v2, $0x3  }
0x2e: {  	v2 =	vand.u32 $0x7, v2;
	v3 =	vand.u32 $0xFFFFFFC0, v3  }
0x2f: {  	v2 =	vor.u32 v2, v3  }
0x30: {  	v2 =	vperm.xlane v2, v0;
	_ =	sdelay $0x1  }
0x31: {  	v2 =	vadd.s32 v1, v2;
	_ =	sdelay $0x4  }
0x32: {  	[tilespmem:s26], [sflag:$0x1] =	stream.indirect_vreg.gather [hbm4b:s1+s3], $0x80, v2, vm0, $0xb8;
	[tilespmem:$0x10200] =	vst v63  }
0x33: {  	_ = 	snop  }
0x34: {  	[tilespmem:s31], [sflag:$0x1] =	stream.indirect_vreg.gather [hbm4b:s5+s3], $0x80, v2, vm0, $0xb8;
	[tilespmem:$0x10200] =	vst v63  }
0x35: {  	_ = 	snop  }
0x36: {  	[tilespmem:s0], [sflag:$0x1] =	stream.indirect_vreg.gather [hbm4b:s6+s3], $0x80, v2, vm0, $0xb8;
	[tilespmem:$0x10200] =	vst v63  }
0x37: {  	_ = 	snop  }
0x38: {  	[tilespmem:s28], [sflag:$0x1] =	stream.indirect_vreg.gather [hbm4b:s7+s3], $0x80, v2, vm0, $0xb8;
	[tilespmem:$0x10200] =	vst v63  }
0x39: {  	v2 =	vld.msk [tilespmem:$0x8], $0xff;
	_ =	sdelay $0x4  }
0x3a: {  	v3 =	vshll.u32 v2, $0x3  }
0x3b: {  	v2 =	vand.u32 $0x7, v2;
	v3 =	vand.u32 $0xFFFFFFC0, v3  }
0x3c: {  	v2 =	vor.u32 v2, v3  }
0x3d: {  	v2 =	vperm.xlane v2, v0;
	_ =	sdelay $0x1  }
0x3e: {  	v2 =	vadd.s32 v1, v2;
	_ =	sdelay $0x4  }
0x3f: {  	[tilespmem:s8], [sflag:$0x2] =	stream.indirect_vreg.gather [hbm4b:s1+s3], $0x80, v2, vm0, $0xb8;
	[tilespmem:$0x10200] =	vst v63  }
0x40: {  	s28 =	simm.s32 $0x2A00  }
0x41: {  	[tilespmem:s28], [sflag:$0x2] =	stream.indirect_vreg.gather [hbm4b:s5+s3], $0x80, v2, vm0, $0xb8;
	[tilespmem:$0x10200] =	vst v63  }
0x42: {  	s31 =	simm.s32 $0x3200  }
0x43: {  	[tilespmem:s31], [sflag:$0x2] =	stream.indirect_vreg.gather [hbm4b:s6+s3], $0x80, v2, vm0, $0xb8;
	[tilespmem:$0x10200] =	vst v63  }
0x44: {  	s8 =	simm.s32 $0x3A00  }
0x45: {  	[tilespmem:s8], [sflag:$0x2] =	stream.indirect_vreg.gather [hbm4b:s7+s3], $0x80, v2, vm0, $0xb8;
	[tilespmem:$0x10200] =	vst v63  }
0x46: {  	v2 =	vld.msk [tilespmem:$0x10], $0xff;
	_ =	sdelay $0x4  }
0x47: {  	v3 =	vshll.u32 v2, $0x3  }
0x48: {  	v2 =	vand.u32 $0x7, v2;
	v3 =	vand.u32 $0xFFFFFFC0, v3  }
0x49: {  	v2 =	vor.u32 v2, v3  }
0x4a: {  	v2 =	vperm.xlane v2, v0;
	_ =	sdelay $0x1  }
0x4b: {  	v2 =	vadd.s32 v1, v2;
	_ =	sdelay $0x4  }
0x4c: {  	[tilespmem:s18], [sflag:$0x3] =	stream.indirect_vreg.gather [hbm4b:s1+s3], $0x80, v2, vm0, $0xb8;
	[tilespmem:$0x10200] =	vst v63  }
0x4d: {  	s18 =	simm.s32 $0x4A00  }
0x4e: {  	[tilespmem:s18], [sflag:$0x3] =	stream.indirect_vreg.gather [hbm4b:s5+s3], $0x80, v2, vm0, $0xb8;
	[tilespmem:$0x10200] =	vst v63  }
0x4f: {  	s23 =	simm.s32 $0x5200  }
0x50: {  	[tilespmem:s23], [sflag:$0x3] =	stream.indirect_vreg.gather [hbm4b:s6+s3], $0x80, v2, vm0, $0xb8;
	[tilespmem:$0x10200] =	vst v63  }
0x51: {  	s25 =	simm.s32 $0x5A00  }
0x52: {  	[tilespmem:s25], [sflag:$0x3] =	stream.indirect_vreg.gather [hbm4b:s7+s3], $0x80, v2, vm0, $0xb8;
	[tilespmem:$0x10200] =	vst v63  }
0x53: {  	v2 =	vld.msk [tilespmem:$0x18], $0xff;
	_ =	sdelay $0x4  }
0x54: {  	v3 =	vshll.u32 v2, $0x3  }
0x55: {  	v2 =	vand.u32 $0x7, v2;
	v3 =	vand.u32 $0xFFFFFFC0, v3  }
0x56: {  	v2 =	vor.u32 v2, v3  }
0x57: {  	v2 =	vperm.xlane v2, v0;
	_ =	sdelay $0x1  }
0x58: {  	v2 =	vadd.s32 v1, v2;
	_ =	sdelay $0x4  }
0x59: {  	[tilespmem:s12], [sflag:$0x4] =	stream.indirect_vreg.gather [hbm4b:s1+s3], $0x80, v2, vm0, $0xb8;
	[tilespmem:$0x10200] =	vst v63  }
0x5a: {  	s26 =	simm.s32 $0x6A00  }
0x5b: {  	[tilespmem:s26], [sflag:$0x4] =	stream.indirect_vreg.gather [hbm4b:s5+s3], $0x80, v2, vm0, $0xb8;
	[tilespmem:$0x10200] =	vst v63  }
0x5c: {  	s28 =	simm.s32 $0x7200  }
0x5d: {  	[tilespmem:s28], [sflag:$0x4] =	stream.indirect_vreg.gather [hbm4b:s6+s3], $0x80, v2, vm0, $0xb8;
	[tilespmem:$0x10200] =	vst v63  }
0x5e: {  	s31 =	simm.s32 $0x7A00  }
0x5f: {  	[tilespmem:s31], [sflag:$0x4] =	stream.indirect_vreg.gather [hbm4b:s7+s3], $0x80, v2, vm0, $0xb8;
	[tilespmem:$0x10200] =	vst v63  }
0x60: {  	v2 =	vld.msk [tilespmem:$0x20], $0xff;
	_ =	sdelay $0x4  }
0x61: {  	v3 =	vshll.u32 v2, $0x3  }
0x62: {  	v2 =	vand.u32 $0x7, v2;
	v3 =	vand.u32 $0xFFFFFFC0, v3  }
0x63: {  	v2 =	vor.u32 v2, v3  }
0x64: {  	v2 =	vperm.xlane v2, v0;
	_ =	sdelay $0x1  }
0x65: {  	v2 =	vadd.s32 v1, v2;
	_ =	sdelay $0x4  }
0x66: {  	[tilespmem:s16], [sflag:$0x5] =	stream.indirect_vreg.gather [hbm4b:s1+s3], $0x80, v2, vm0, $0xb8;
	[tilespmem:$0x10200] =	vst v63  }
0x67: {  	s8 =	simm.s32 $0x8A00  }
0x68: {  	[tilespmem:s8], [sflag:$0x5] =	stream.indirect_vreg.gather [hbm4b:s5+s3], $0x80, v2, vm0, $0xb8;
	[tilespmem:$0x10200] =	vst v63  }
0x69: {  	s12 =	simm.s32 $0x9200  }
0x6a: {  	[tilespmem:s12], [sflag:$0x5] =	stream.indirect_vreg.gather [hbm4b:s6+s3], $0x80, v2, vm0, $0xb8;
	[tilespmem:$0x10200] =	vst v63  }
0x6b: {  	s16 =	simm.s32 $0x9A00  }
0x6c: {  	[tilespmem:s16], [sflag:$0x5] =	stream.indirect_vreg.gather [hbm4b:s7+s3], $0x80, v2, vm0, $0xb8;
	[tilespmem:$0x10200] =	vst v63  }
0x6d: {  	v2 =	vld.msk [tilespmem:$0x28], $0xff;
	_ =	sdelay $0x4  }
0x6e: {  	v3 =	vshll.u32 v2, $0x3  }
0x6f: {  	v2 =	vand.u32 $0x7, v2;
	v3 =	vand.u32 $0xFFFFFFC0, v3  }
0x70: {  	v2 =	vor.u32 v2, v3  }
0x71: {  	v2 =	vperm.xlane v2, v0;
	_ =	sdelay $0x1  }
0x72: {  	v2 =	vadd.s32 v1, v2;
	_ =	sdelay $0x4  }
0x73: {  	[tilespmem:s22], [sflag:$0x6] =	stream.indirect_vreg.gather [hbm4b:s1+s3], $0x80, v2, vm0, $0xb8;
	[tilespmem:$0x10200] =	vst v63  }
0x74: {  	s18 =	simm.s32 $0xAA00  }
0x75: {  	[tilespmem:s18], [sflag:$0x6] =	stream.indirect_vreg.gather [hbm4b:s5+s3], $0x80, v2, vm0, $0xb8;
	[tilespmem:$0x10200] =	vst v63  }
0x76: {  	s22 =	simm.s32 $0xB200  }
0x77: {  	[tilespmem:s22], [sflag:$0x6] =	stream.indirect_vreg.gather [hbm4b:s6+s3], $0x80, v2, vm0, $0xb8;
	[tilespmem:$0x10200] =	vst v63  }
0x78: {  	s23 =	simm.s32 $0xBA00  }
0x79: {  	[tilespmem:s23], [sflag:$0x6] =	stream.indirect_vreg.gather [hbm4b:s7+s3], $0x80, v2, vm0, $0xb8;
	[tilespmem:$0x10200] =	vst v63  }
0x7a: {  	v2 =	vld.msk [tilespmem:$0x30], $0xff;
	_ =	sdelay $0x4  }
0x7b: {  	v3 =	vshll.u32 v2, $0x3  }
0x7c: {  	v2 =	vand.u32 $0x7, v2;
	v3 =	vand.u32 $0xFFFFFFC0, v3  }
0x7d: {  	v2 =	vor.u32 v2, v3  }
0x7e: {  	v2 =	vperm.xlane v2, v0;
	_ =	sdelay $0x1  }
0x7f: {  	v2 =	vadd.s32 v1, v2;
	_ =	sdelay $0x4  }
0x80: {  	[tilespmem:s29], [sflag:$0x7] =	stream.indirect_vreg.gather [hbm4b:s1+s3], $0x80, v2, vm0, $0xb8;
	[tilespmem:$0x10200] =	vst v63  }
0x81: {  	s25 =	simm.s32 $0xCA00  }
0x82: {  	[tilespmem:s25], [sflag:$0x7] =	stream.indirect_vreg.gather [hbm4b:s5+s3], $0x80, v2, vm0, $0xb8;
	[tilespmem:$0x10200] =	vst v63  }
0x83: {  	s26 =	simm.s32 $0xD200  }
0x84: {  	[tilespmem:s26], [sflag:$0x7] =	stream.indirect_vreg.gather [hbm4b:s6+s3], $0x80, v2, vm0, $0xb8;
	[tilespmem:$0x10200] =	vst v63  }
0x85: {  	s28 =	simm.s32 $0xDA00  }
0x86: {  	[tilespmem:s28], [sflag:$0x7] =	stream.indirect_vreg.gather [hbm4b:s7+s3], $0x80, v2, vm0, $0xb8;
	[tilespmem:$0x10200] =	vst v63  }
0x87: {  	v2 =	vld.msk [tilespmem:$0x38], $0xff;
	_ =	sdelay $0x4  }
0x88: {  	v3 =	vshll.u32 v2, $0x3  }
0x89: {  	v2 =	vand.u32 $0x7, v2;
	v3 =	vand.u32 $0xFFFFFFC0, v3  }
0x8a: {  	v2 =	vor.u32 v2, v3  }
0x8b: {  	v2 =	vperm.xlane v2, v0;
	_ =	sdelay $0x1  }
0x8c: {  	v2 =	vadd.s32 v1, v2;
	_ =	sdelay $0x4  }
0x8d: {  	[tilespmem:s30], [sflag:$0x8] =	stream.indirect_vreg.gather [hbm4b:s1+s3], $0x80, v2, vm0, $0xb8;
	[tilespmem:$0x10200] =	vst v63  }
0x8e: {  	s29 =	simm.s32 $0xEA00  }
0x8f: {  	[tilespmem:s29], [sflag:$0x8] =	stream.indirect_vreg.gather [hbm4b:s5+s3], $0x80, v2, vm0, $0xb8;
	[tilespmem:$0x10200] =	vst v63  }
0x90: {  	s4 =	simm.s32 $0x3;
	s2 =	simm.s32 $0x1;
	s30 =	simm.s32 $0xF200  }
0x91: {  	[tilespmem:s30], [sflag:$0x8] =	stream.indirect_vreg.gather [hbm4b:s6+s3], $0x80, v2, vm0, $0xb8;
	[tilespmem:$0x10200] =	vst v63  }
0x92: {  	s31 =	simm.s32 $0xFA00;
	s25 =	simm.s32 $0x78;
	s26 =	simm.s32 $0x0  }
0x93: {  	[tilespmem:s31], [sflag:$0x8] =	stream.indirect_vreg.gather [hbm4b:s7+s3], $0x80, v2, vm0, $0xb8;
	[tilespmem:$0x10200] =	vst v63  }
.LBB2_2:
0x94: {  	_ =	swait.ge [sflag:s2], $0x2000  }
0x95: {  	s23 =	rddreg [dreg:$0x4];
	[sflag:s2] =	ssyncset.done $0x0  }
0x96: {  	s0 =	simm.s32 $0x200;
	[sflag:s2] =	ssyncadd.s32 $0xFFFFE000;
	s23 =	sadd.s32 s26, s23  }
0x97: {  	[hbm4b:s23+s3] =	stream.linear.scatter [tilespmem:s0], [sflag:$0x9], $0x2000, $0x38;
	[tilespmem:$0x10200] =	vst v63  }
0x98: {  	_ =	swait.ge [sflag:s17], $0x2000  }
0x99: {  	s12 =	rddreg [dreg:$0x5];
	[sflag:s17] =	ssyncset.done $0x0  }
0x9a: {  	s18 =	simm.s32 $0x2200;
	[sflag:s17] =	ssyncadd.s32 $0xFFFFE000;
	s23 =	sadd.s32 s26, s12  }
0x9b: {  	[hbm4b:s23+s3] =	stream.linear.scatter [tilespmem:s18], [sflag:$0xA], $0x2000, $0x38;
	[tilespmem:$0x10200] =	vst v63  }
0x9c: {  	_ =	swait.ge [sflag:s4], $0x2000  }
0x9d: {  	s16 =	rddreg [dreg:$0x6];
	[sflag:s4] =	ssyncset.done $0x0  }
0x9e: {  	s12 =	simm.s32 $0x4200;
	[sflag:s4] =	ssyncadd.s32 $0xFFFFE000;
	s23 =	sadd.s32 s26, s16  }
0x9f: {  	[hbm4b:s23+s3] =	stream.linear.scatter [tilespmem:s12], [sflag:$0xB], $0x2000, $0x38;
	[tilespmem:$0x10200] =	vst v63  }
0xa0: {  	_ =	swait.ge [sflag:s9], $0x2000  }
0xa1: {  	s22 =	rddreg [dreg:$0x7];
	[sflag:s9] =	ssyncset.done $0x0  }
0xa2: {  	s16 =	simm.s32 $0x6200;
	[sflag:s9] =	ssyncadd.s32 $0xFFFFE000;
	s23 =	sadd.s32 s26, s22  }
0xa3: {  	[hbm4b:s23+s3] =	stream.linear.scatter [tilespmem:s16], [sflag:$0xC], $0x2000, $0x38;
	[tilespmem:$0x10200] =	vst v63  }
0xa4: {  	_ =	swait.ge [sflag:s10], $0x2000  }
0xa5: {  	s31 =	rddreg [dreg:$0x8];
	[sflag:s10] =	ssyncset.done $0x0  }
0xa6: {  	s22 =	simm.s32 $0x8200;
	[sflag:s10] =	ssyncadd.s32 $0xFFFFE000;
	s23 =	sadd.s32 s26, s31  }
0xa7: {  	[hbm4b:s23+s3] =	stream.linear.scatter [tilespmem:s22], [sflag:$0xD], $0x2000, $0x38;
	[tilespmem:$0x10200] =	vst v63  }
0xa8: {  	_ =	swait.ge [sflag:s11], $0x2000  }
0xa9: {  	s8 =	rddreg [dreg:$0x9];
	[sflag:s11] =	ssyncset.done $0x0  }
0xaa: {  	s29 =	simm.s32 $0xA200;
	[sflag:s11] =	ssyncadd.s32 $0xFFFFE000;
	s23 =	sadd.s32 s26, s8  }
0xab: {  	[hbm4b:s23+s3] =	stream.linear.scatter [tilespmem:s29], [sflag:$0xE], $0x2000, $0x38;
	[tilespmem:$0x10200] =	vst v63  }
0xac: {  	_ =	swait.ge [sflag:s13], $0x2000  }
0xad: {  	s31 =	rddreg [dreg:$0xa];
	[sflag:s13] =	ssyncset.done $0x0  }
0xae: {  	s30 =	simm.s32 $0xC200;
	[sflag:s13] =	ssyncadd.s32 $0xFFFFE000;
	s23 =	sadd.s32 s26, s31  }
0xaf: {  	[hbm4b:s23+s3] =	stream.linear.scatter [tilespmem:s30], [sflag:$0xF], $0x2000, $0x38;
	[tilespmem:$0x10200] =	vst v63  }
0xb0: {  	_ =	swait.ge [sflag:s14], $0x2000  }
0xb1: {  	s8 =	rddreg [dreg:$0xb];
	[sflag:s14] =	ssyncset.done $0x0  }
0xb2: {  	s31 =	simm.s32 $0xE200;
	[sflag:s14] =	ssyncadd.s32 $0xFFFFE000;
	s23 =	sadd.s32 s26, s8  }
0xb3: {  	[hbm4b:s23+s3] =	stream.linear.scatter [tilespmem:s31], [sflag:$0x10], $0x2000, $0x38;
	[tilespmem:$0x10200] =	vst v63  }
0xb4: {  	_ =	swait.ge [sflag:s15], $0x2000  }
0xb5: {  	[sflag:s15] =	ssyncset.done $0x0  }
0xb6: {  	[sflag:s15] =	ssyncadd.s32 $0xFFFFE000  }
0xb7: {  	v2 =	vld.msk [tilespmem:s25+$0xFFFFFFC8], $0xff;
	_ =	sdelay $0x4  }
0xb8: {  	v3 =	vshll.u32 v2, $0x3  }
0xb9: {  	v2 =	vand.u32 $0x7, v2;
	v3 =	vand.u32 $0xFFFFFFC0, v3  }
0xba: {  	v2 =	vor.u32 v2, v3  }
0xbb: {  	v2 =	vperm.xlane v2, v0;
	_ =	sdelay $0x1  }
0xbc: {  	v2 =	vadd.s32 v1, v2;
	_ =	sdelay $0x4  }
0xbd: {  	[tilespmem:s0], [sflag:$0x1] =	stream.indirect_vreg.gather [hbm4b:s1+s3], $0x80, v2, vm0, $0xb8;
	[tilespmem:$0x10200] =	vst v63  }
0xbe: {  	s8 =	simm.s32 $0xA00  }
0xbf: {  	[tilespmem:s8], [sflag:$0x1] =	stream.indirect_vreg.gather [hbm4b:s5+s3], $0x80, v2, vm0, $0xb8;
	[tilespmem:$0x10200] =	vst v63  }
0xc0: {  	s0 =	simm.s32 $0x1200  }
0xc1: {  	[tilespmem:s0], [sflag:$0x1] =	stream.indirect_vreg.gather [hbm4b:s6+s3], $0x80, v2, vm0, $0xb8;
	[tilespmem:$0x10200] =	vst v63  }
0xc2: {  	s23 =	simm.s32 $0x1A00  }
0xc3: {  	[tilespmem:s23], [sflag:$0x1] =	stream.indirect_vreg.gather [hbm4b:s7+s3], $0x80, v2, vm0, $0xb8;
	[tilespmem:$0x10200] =	vst v63  }
0xc4: {  	_ =	swait.ge [sflag:s19], $0x2000  }
0xc5: {  	[sflag:s19] =	ssyncset.done $0x0  }
0xc6: {  	[sflag:s19] =	ssyncadd.s32 $0xFFFFE000  }
0xc7: {  	v2 =	vld.msk [tilespmem:s25+$0xFFFFFFD0], $0xff;
	_ =	sdelay $0x4  }
0xc8: {  	v3 =	vshll.u32 v2, $0x3  }
0xc9: {  	v2 =	vand.u32 $0x7, v2;
	v3 =	vand.u32 $0xFFFFFFC0, v3  }
0xca: {  	v2 =	vor.u32 v2, v3  }
0xcb: {  	v2 =	vperm.xlane v2, v0;
	_ =	sdelay $0x1  }
0xcc: {  	v2 =	vadd.s32 v1, v2;
	_ =	sdelay $0x4  }
0xcd: {  	[tilespmem:s18], [sflag:$0x2] =	stream.indirect_vreg.gather [hbm4b:s1+s3], $0x80, v2, vm0, $0xb8;
	[tilespmem:$0x10200] =	vst v63  }
0xce: {  	s23 =	simm.s32 $0x2A00  }
0xcf: {  	[tilespmem:s23], [sflag:$0x2] =	stream.indirect_vreg.gather [hbm4b:s5+s3], $0x80, v2, vm0, $0xb8;
	[tilespmem:$0x10200] =	vst v63  }
0xd0: {  	s23 =	simm.s32 $0x3200  }
0xd1: {  	[tilespmem:s23], [sflag:$0x2] =	stream.indirect_vreg.gather [hbm4b:s6+s3], $0x80, v2, vm0, $0xb8;
	[tilespmem:$0x10200] =	vst v63  }
0xd2: {  	s23 =	simm.s32 $0x3A00  }
0xd3: {  	[tilespmem:s23], [sflag:$0x2] =	stream.indirect_vreg.gather [hbm4b:s7+s3], $0x80, v2, vm0, $0xb8;
	[tilespmem:$0x10200] =	vst v63  }
0xd4: {  	_ =	swait.ge [sflag:s20], $0x2000  }
0xd5: {  	[sflag:s20] =	ssyncset.done $0x0  }
0xd6: {  	[sflag:s20] =	ssyncadd.s32 $0xFFFFE000  }
0xd7: {  	v2 =	vld.msk [tilespmem:s25+$0xFFFFFFD8], $0xff;
	_ =	sdelay $0x4  }
0xd8: {  	v3 =	vshll.u32 v2, $0x3  }
0xd9: {  	v2 =	vand.u32 $0x7, v2;
	v3 =	vand.u32 $0xFFFFFFC0, v3  }
0xda: {  	v2 =	vor.u32 v2, v3  }
0xdb: {  	v2 =	vperm.xlane v2, v0;
	_ =	sdelay $0x1  }
0xdc: {  	v2 =	vadd.s32 v1, v2;
	_ =	sdelay $0x4  }
0xdd: {  	[tilespmem:s12], [sflag:$0x3] =	stream.indirect_vreg.gather [hbm4b:s1+s3], $0x80, v2, vm0, $0xb8;
	[tilespmem:$0x10200] =	vst v63  }
0xde: {  	s23 =	simm.s32 $0x4A00  }
0xdf: {  	[tilespmem:s23], [sflag:$0x3] =	stream.indirect_vreg.gather [hbm4b:s5+s3], $0x80, v2, vm0, $0xb8;
	[tilespmem:$0x10200] =	vst v63  }
0xe0: {  	s23 =	simm.s32 $0x5200  }
0xe1: {  	[tilespmem:s23], [sflag:$0x3] =	stream.indirect_vreg.gather [hbm4b:s6+s3], $0x80, v2, vm0, $0xb8;
	[tilespmem:$0x10200] =	vst v63  }
0xe2: {  	s23 =	simm.s32 $0x5A00  }
0xe3: {  	[tilespmem:s23], [sflag:$0x3] =	stream.indirect_vreg.gather [hbm4b:s7+s3], $0x80, v2, vm0, $0xb8;
	[tilespmem:$0x10200] =	vst v63  }
0xe4: {  	_ =	swait.ge [sflag:s21], $0x2000  }
0xe5: {  	[sflag:s21] =	ssyncset.done $0x0  }
0xe6: {  	[sflag:s21] =	ssyncadd.s32 $0xFFFFE000  }
0xe7: {  	v2 =	vld.msk [tilespmem:s25+$0xFFFFFFE0], $0xff;
	_ =	sdelay $0x4  }
0xe8: {  	v3 =	vshll.u32 v2, $0x3  }
0xe9: {  	v2 =	vand.u32 $0x7, v2;
	v3 =	vand.u32 $0xFFFFFFC0, v3  }
0xea: {  	v2 =	vor.u32 v2, v3  }
0xeb: {  	v2 =	vperm.xlane v2, v0;
	_ =	sdelay $0x1  }
0xec: {  	v2 =	vadd.s32 v1, v2;
	_ =	sdelay $0x4  }
0xed: {  	[tilespmem:s16], [sflag:$0x4] =	stream.indirect_vreg.gather [hbm4b:s1+s3], $0x80, v2, vm0, $0xb8;
	[tilespmem:$0x10200] =	vst v63  }
0xee: {  	s23 =	simm.s32 $0x6A00  }
0xef: {  	[tilespmem:s23], [sflag:$0x4] =	stream.indirect_vreg.gather [hbm4b:s5+s3], $0x80, v2, vm0, $0xb8;
	[tilespmem:$0x10200] =	vst v63  }
0xf0: {  	s23 =	simm.s32 $0x7200  }
0xf1: {  	[tilespmem:s23], [sflag:$0x4] =	stream.indirect_vreg.gather [hbm4b:s6+s3], $0x80, v2, vm0, $0xb8;
	[tilespmem:$0x10200] =	vst v63  }
0xf2: {  	s23 =	simm.s32 $0x7A00  }
0xf3: {  	[tilespmem:s23], [sflag:$0x4] =	stream.indirect_vreg.gather [hbm4b:s7+s3], $0x80, v2, vm0, $0xb8;
	[tilespmem:$0x10200] =	vst v63  }
0xf4: {  	_ =	swait.ge [sflag:s24], $0x2000  }
0xf5: {  	[sflag:s24] =	ssyncset.done $0x0  }
0xf6: {  	[sflag:s24] =	ssyncadd.s32 $0xFFFFE000  }
0xf7: {  	v2 =	vld.msk [tilespmem:s25+$0xFFFFFFE8], $0xff;
	_ =	sdelay $0x4  }
0xf8: {  	v3 =	vshll.u32 v2, $0x3  }
0xf9: {  	v2 =	vand.u32 $0x7, v2;
	v3 =	vand.u32 $0xFFFFFFC0, v3  }
0xfa: {  	v2 =	vor.u32 v2, v3  }
0xfb: {  	v2 =	vperm.xlane v2, v0;
	_ =	sdelay $0x1  }
0xfc: {  	v2 =	vadd.s32 v1, v2;
	_ =	sdelay $0x4  }
0xfd: {  	[tilespmem:s22], [sflag:$0x5] =	stream.indirect_vreg.gather [hbm4b:s1+s3], $0x80, v2, vm0, $0xb8;
	[tilespmem:$0x10200] =	vst v63  }
0xfe: {  	s23 =	simm.s32 $0x8A00  }
0xff: {  	[tilespmem:s23], [sflag:$0x5] =	stream.indirect_vreg.gather [hbm4b:s5+s3], $0x80, v2, vm0, $0xb8;
	[tilespmem:$0x10200] =	vst v63  }
0x100: {  	s23 =	simm.s32 $0x9200  }
0x101: {  	[tilespmem:s23], [sflag:$0x5] =	stream.indirect_vreg.gather [hbm4b:s6+s3], $0x80, v2, vm0, $0xb8;
	[tilespmem:$0x10200] =	vst v63  }
0x102: {  	s23 =	simm.s32 $0x9A00  }
0x103: {  	[tilespmem:s23], [sflag:$0x5] =	stream.indirect_vreg.gather [hbm4b:s7+s3], $0x80, v2, vm0, $0xb8;
	[tilespmem:$0x10200] =	vst v63  }
0x104: {  	s23 =	simm.s32 $0xE  }
0x105: {  	_ =	swait.ge [sflag:s23], $0x2000  }
0x106: {  	[sflag:s23] =	ssyncset.done $0x0  }
0x107: {  	[sflag:s23] =	ssyncadd.s32 $0xFFFFE000  }
0x108: {  	v2 =	vld.msk [tilespmem:s25+$0xFFFFFFF0], $0xff;
	_ =	sdelay $0x4  }
0x109: {  	v3 =	vshll.u32 v2, $0x3  }
0x10a: {  	v2 =	vand.u32 $0x7, v2;
	v3 =	vand.u32 $0xFFFFFFC0, v3  }
0x10b: {  	v2 =	vor.u32 v2, v3  }
0x10c: {  	v2 =	vperm.xlane v2, v0;
	_ =	sdelay $0x1  }
0x10d: {  	v2 =	vadd.s32 v1, v2;
	_ =	sdelay $0x4  }
0x10e: {  	[tilespmem:s29], [sflag:$0x6] =	stream.indirect_vreg.gather [hbm4b:s1+s3], $0x80, v2, vm0, $0xb8;
	[tilespmem:$0x10200] =	vst v63  }
0x10f: {  	s23 =	simm.s32 $0xAA00  }
0x110: {  	[tilespmem:s23], [sflag:$0x6] =	stream.indirect_vreg.gather [hbm4b:s5+s3], $0x80, v2, vm0, $0xb8;
	[tilespmem:$0x10200] =	vst v63  }
0x111: {  	s23 =	simm.s32 $0xB200  }
0x112: {  	[tilespmem:s23], [sflag:$0x6] =	stream.indirect_vreg.gather [hbm4b:s6+s3], $0x80, v2, vm0, $0xb8;
	[tilespmem:$0x10200] =	vst v63  }
0x113: {  	s23 =	simm.s32 $0xBA00  }
0x114: {  	[tilespmem:s23], [sflag:$0x6] =	stream.indirect_vreg.gather [hbm4b:s7+s3], $0x80, v2, vm0, $0xb8;
	[tilespmem:$0x10200] =	vst v63  }
0x115: {  	s23 =	simm.s32 $0xF  }
0x116: {  	_ =	swait.ge [sflag:s23], $0x2000  }
0x117: {  	[sflag:s23] =	ssyncset.done $0x0  }
0x118: {  	[sflag:s23] =	ssyncadd.s32 $0xFFFFE000  }
0x119: {  	v2 =	vld.msk [tilespmem:s25+$0xFFFFFFF8], $0xff;
	_ =	sdelay $0x4  }
0x11a: {  	v3 =	vshll.u32 v2, $0x3  }
0x11b: {  	v2 =	vand.u32 $0x7, v2;
	v3 =	vand.u32 $0xFFFFFFC0, v3  }
0x11c: {  	v2 =	vor.u32 v2, v3  }
0x11d: {  	v2 =	vperm.xlane v2, v0;
	_ =	sdelay $0x1  }
0x11e: {  	v2 =	vadd.s32 v1, v2;
	_ =	sdelay $0x4  }
0x11f: {  	[tilespmem:s30], [sflag:$0x7] =	stream.indirect_vreg.gather [hbm4b:s1+s3], $0x80, v2, vm0, $0xb8;
	[tilespmem:$0x10200] =	vst v63  }
0x120: {  	s23 =	simm.s32 $0xCA00  }
0x121: {  	[tilespmem:s23], [sflag:$0x7] =	stream.indirect_vreg.gather [hbm4b:s5+s3], $0x80, v2, vm0, $0xb8;
	[tilespmem:$0x10200] =	vst v63  }
0x122: {  	s23 =	simm.s32 $0xD200  }
0x123: {  	[tilespmem:s23], [sflag:$0x7] =	stream.indirect_vreg.gather [hbm4b:s6+s3], $0x80, v2, vm0, $0xb8;
	[tilespmem:$0x10200] =	vst v63  }
0x124: {  	s23 =	simm.s32 $0xDA00  }
0x125: {  	[tilespmem:s23], [sflag:$0x7] =	stream.indirect_vreg.gather [hbm4b:s7+s3], $0x80, v2, vm0, $0xb8;
	[tilespmem:$0x10200] =	vst v63  }
0x126: {  	s23 =	simm.s32 $0x10  }
0x127: {  	_ =	swait.ge [sflag:s23], $0x2000  }
0x128: {  	[sflag:s23] =	ssyncset.done $0x0  }
0x129: {  	[sflag:s23] =	ssyncadd.s32 $0xFFFFE000  }
0x12a: {  	v2 =	vld.msk [tilespmem:s25+$0x0], $0xff;
	_ =	sdelay $0x4  }
0x12b: {  	v3 =	vshll.u32 v2, $0x3  }
0x12c: {  	v2 =	vand.u32 $0x7, v2;
	v3 =	vand.u32 $0xFFFFFFC0, v3  }
0x12d: {  	v2 =	vor.u32 v2, v3  }
0x12e: {  	v2 =	vperm.xlane v2, v0;
	_ =	sdelay $0x1  }
0x12f: {  	v2 =	vadd.s32 v1, v2;
	_ =	sdelay $0x3  }
0x130: {  	s28 =	simm.s32 $0x200;
	p0 =	sne.s32 s26, $0xC000;
	s26 =	sadd.s32 $0x2000, s26  }
0x131: {  	[tilespmem:s31], [sflag:$0x8] =	stream.indirect_vreg.gather [hbm4b:s1+s3], $0x80, v2, vm0, $0xb8;
	[tilespmem:$0x10200] =	vst v63  }
0x132: {  	s8 =	simm.s32 $0x2200;
	s18 =	simm.s32 $0x4200;
	s31 =	simm.s32 $0xEA00  }
0x133: {  	[tilespmem:s31], [sflag:$0x8] =	stream.indirect_vreg.gather [hbm4b:s5+s3], $0x80, v2, vm0, $0xb8;
	[tilespmem:$0x10200] =	vst v63  }
.Ltmp0:
0x134: {  	s12 =	simm.s32 $0x6200;
	s16 =	simm.s32 $0x8200;
	(pc) =	sbr.rel @p0 .LBB2_2-.Ltmp0, $4  }
0x135: {  	s22 =	simm.s32 $0xA200;
	s29 =	simm.s32 $0xC200;
	s31 =	simm.s32 $0xF200  }
0x136: {  	[tilespmem:s31], [sflag:$0x8] =	stream.indirect_vreg.gather [hbm4b:s6+s3], $0x80, v2, vm0, $0xb8;
	[tilespmem:$0x10200] =	vst v63  }
0x137: {  	s30 =	simm.s32 $0xE200;
	s25 =	sadd.s32 $0x40, s25;
	s31 =	simm.s32 $0xFA00  }
0x138: {  	[tilespmem:s31], [sflag:$0x8] =	stream.indirect_vreg.gather [hbm4b:s7+s3], $0x80, v2, vm0, $0xb8;
	[tilespmem:$0x10200] =	vst v63  }
0x139: {  	_ =	swait.ge [sflag:s2], $0x2000  }
0x13a: {  	[sflag:s2] =	ssyncset.done $0x0  }
0x13b: {  	s23 =	rddreg [dreg:$0xd];
	[sflag:s2] =	ssyncadd.s32 $0xFFFFE000  }
0x13c: {  	[hbm4b:s23+s3] =	stream.linear.scatter [tilespmem:s28], [sflag:$0x9], $0x2000, $0x38;
	[tilespmem:$0x10200] =	vst v63  }
0x13d: {  	_ =	swait.ge [sflag:s17], $0x2000  }
0x13e: {  	[sflag:s17] =	ssyncset.done $0x0  }
0x13f: {  	s25 =	rddreg [dreg:$0xe];
	[sflag:s17] =	ssyncadd.s32 $0xFFFFE000  }
0x140: {  	[hbm4b:s25+s3] =	stream.linear.scatter [tilespmem:s8], [sflag:$0xA], $0x2000, $0x38;
	[tilespmem:$0x10200] =	vst v63  }
0x141: {  	_ =	swait.ge [sflag:s4], $0x2000  }
0x142: {  	[sflag:s4] =	ssyncset.done $0x0  }
0x143: {  	s26 =	rddreg [dreg:$0xf];
	[sflag:s4] =	ssyncadd.s32 $0xFFFFE000  }
0x144: {  	[hbm4b:s26+s3] =	stream.linear.scatter [tilespmem:s18], [sflag:$0xB], $0x2000, $0x38;
	[tilespmem:$0x10200] =	vst v63  }
0x145: {  	_ =	swait.ge [sflag:s9], $0x2000  }
0x146: {  	[sflag:s9] =	ssyncset.done $0x0  }
0x147: {  	s2 =	rddreg [dreg:$0x10];
	[sflag:s9] =	ssyncadd.s32 $0xFFFFE000  }
0x148: {  	[hbm4b:s2+s3] =	stream.linear.scatter [tilespmem:s12], [sflag:$0xC], $0x2000, $0x38;
	[tilespmem:$0x10200] =	vst v63  }
0x149: {  	_ =	swait.ge [sflag:s10], $0x2000  }
0x14a: {  	[sflag:s10] =	ssyncset.done $0x0  }
0x14b: {  	s4 =	rddreg [dreg:$0x11];
	[sflag:s10] =	ssyncadd.s32 $0xFFFFE000  }
0x14c: {  	[hbm4b:s4+s3] =	stream.linear.scatter [tilespmem:s16], [sflag:$0xD], $0x2000, $0x38;
	[tilespmem:$0x10200] =	vst v63  }
0x14d: {  	_ =	swait.ge [sflag:s11], $0x2000  }
0x14e: {  	[sflag:s11] =	ssyncset.done $0x0  }
0x14f: {  	s25 =	rddreg [dreg:$0x12];
	[sflag:s11] =	ssyncadd.s32 $0xFFFFE000  }
0x150: {  	[hbm4b:s25+s3] =	stream.linear.scatter [tilespmem:s22], [sflag:$0xE], $0x2000, $0x38;
	[tilespmem:$0x10200] =	vst v63  }
0x151: {  	_ =	swait.ge [sflag:s13], $0x2000  }
0x152: {  	[sflag:s13] =	ssyncset.done $0x0  }
0x153: {  	s26 =	rddreg [dreg:$0x13];
	[sflag:s13] =	ssyncadd.s32 $0xFFFFE000  }
0x154: {  	[hbm4b:s26+s3] =	stream.linear.scatter [tilespmem:s29], [sflag:$0xF], $0x2000, $0x38;
	[tilespmem:$0x10200] =	vst v63  }
0x155: {  	_ =	swait.ge [sflag:s14], $0x2000  }
0x156: {  	[sflag:s14] =	ssyncset.done $0x0  }
0x157: {  	s2 =	rddreg [dreg:$0x14];
	[sflag:s14] =	ssyncadd.s32 $0xFFFFE000  }
0x158: {  	[hbm4b:s2+s3] =	stream.linear.scatter [tilespmem:s30], [sflag:$0x10], $0x2000, $0x38;
	[tilespmem:$0x10200] =	vst v63  }
0x159: {  	_ =	swait.ge [sflag:s15], $0x2000  }
0x15a: {  	[sflag:s15] =	ssyncset.done $0x0  }
0x15b: {  	[sflag:s15] =	ssyncadd.s32 $0xFFFFE000  }
0x15c: {  	_ =	swait.ge [sflag:s19], $0x2000  }
0x15d: {  	[sflag:s19] =	ssyncset.done $0x0  }
0x15e: {  	[sflag:s19] =	ssyncadd.s32 $0xFFFFE000  }
0x15f: {  	_ =	swait.ge [sflag:s20], $0x2000  }
0x160: {  	[sflag:s20] =	ssyncset.done $0x0  }
0x161: {  	[sflag:s20] =	ssyncadd.s32 $0xFFFFE000  }
0x162: {  	_ =	swait.ge [sflag:s21], $0x2000  }
0x163: {  	[sflag:s21] =	ssyncset.done $0x0  }
0x164: {  	[sflag:s21] =	ssyncadd.s32 $0xFFFFE000  }
0x165: {  	_ =	swait.ge [sflag:s24], $0x2000  }
0x166: {  	[sflag:s24] =	ssyncset.done $0x0  }
0x167: {  	s4 =	simm.s32 $0xE;
	[sflag:s24] =	ssyncadd.s32 $0xFFFFE000  }
0x168: {  	_ =	swait.ge [sflag:s4], $0x2000  }
0x169: {  	[sflag:s4] =	ssyncset.done $0x0  }
0x16a: {  	s23 =	simm.s32 $0xF;
	[sflag:s4] =	ssyncadd.s32 $0xFFFFE000  }
0x16b: {  	_ =	swait.ge [sflag:s23], $0x2000  }
0x16c: {  	[sflag:s23] =	ssyncset.done $0x0  }
0x16d: {  	s4 =	simm.s32 $0x10;
	[sflag:s23] =	ssyncadd.s32 $0xFFFFE000  }
0x16e: {  	_ =	swait.ge [sflag:s4], $0x2000  }
0x16f: {  	s25 =	rddreg [dreg:$0x16]  }
0x170: {  	s26 =	rddreg [dreg:$0x15];
	s2 =	sadd.s32 $0x1, s25  }
0x171: {  	p0 =	sne.s32 s2, s26  }
.Ltmp1:
0x172: {  	_ = 	snop;
	(pc) =	sbr.rel @p0 .LBB2_1-.Ltmp1, $3  }
0x173: {  	_ =	sdelay $0x1  }
0x174: {  	[sflag:s4] =	ssyncset.done $0x0  }
0x175: {  	s31 =	simm.s32 $0xA00;
	s28 =	simm.s32 $0x1A00;
	[sflag:s4] =	ssyncadd.s32 $0xFFFFE000  }
0x176: {  	_ =	sfence.sel $0x180000  }
0x177: {  	[bflag:$0x0] =	sbarrier.arrive $0xFFFF  }
0x178: {  	_ =	strace $0x90000047  }
0x179: {  	s0 =	stileid.u32;
	[bflag:$0x2] =	sbarrier.arrive $0xFFFF  }
0x17a: {  	p0 =	sne.s32 s0, $0x0;
	s0 =	rddreg [dreg:$0x3]  }
0x17b: {  	s0 =	sadd.s32 @!p0 $0x100000, s0  }
0x17c: {  	[sflag:s0] =	ssyncadd.tile.s32 @!p0 $0x1;
	_ =	shalt  }
.Lfunc_end2:
_tile_overlayer_lowered:
.L_overlay_start_2:
0x17d: {  	(tag) =	ssettag $0x2  }
0x17e: {  	s0 =	rddreg [dreg:$0x0];
	s2 =	stileid.u32  }
0x17f: {  	s1 =	rddreg [dreg:$0x1];
	p0 =	sne.s32 s2, $0x0  }
0x180: {  	s3 =	rddreg [dreg:$0x2];
	[bflag:$0x3] =	sbarrier.arrive $0xFFFF;
	s2 =	simm.s32 @!p0 $0x1C11  }
0x181: {  	[timem:s3], [sflag:s2] =	dma.local @!p0 [hbm:s0], s1  }
0x182: {  	s0 =	simm.s32 @!p0 $0x11  }
0x183: {  	_ =	swait.ge @!p0 [sflag:s0], s1  }
0x184: {  	s1 =	ssub.s32 @!p0 $0x0, s1;
	[sflag:s0] =	ssyncset.done @!p0 $0x0  }
0x185: {  	[sflag:s0] =	ssyncadd.s32 @!p0 s1  }
0x186: {  	[bflag:$0x3] =	sbarrier.arrive $0xFFFF  }
0x187: {  	_ =	shalt  }

</sc_bundles>
